<compile_context>
chip_gen: v7x
topology: tpu7x:2x2x1
jax: 0.10.2.dev20260603
libtpu: 0.0.44.dev20260713+nightly
codegen_flags: <defaults>
</compile_context>

<pallas_src>
import functools

import jax
import jax.numpy as jnp
from jax import lax
from jax.experimental import pallas as pl
from jax.experimental.pallas import tpu as pltpu
from jax.experimental.pallas import tpu_sc as plsc

_NUM_CORES = 2
_NUM_SUBCORES = 16
_NW = _NUM_CORES * _NUM_SUBCORES
_L = 16
_NUM_INS = 64

_BLOCK_ROWS = 32768


def _sc_hist(ins_hbm, parts_hbm, chunk_v, cnt_v):
    wid = lax.axis_index("s") * _NUM_CORES + lax.axis_index("c")
    chunk = chunk_v.shape[0]
    pltpu.sync_copy(ins_hbm.at[pl.ds(wid * chunk, chunk)], chunk_v)

    zeros = jnp.zeros((_L,), jnp.int32)
    for i in range(_NUM_INS // _L):
        cnt_v[pl.ds(i * _L, _L)] = zeros
    ones = jnp.ones((_L,), jnp.int32)

    def body(i, carry):
        v = chunk_v[pl.ds(i * _L, _L)]
        plsc.addupdate_scatter(cnt_v, [v], ones)
        return carry

    lax.fori_loop(0, chunk // _L, body, 0)
    pltpu.sync_copy(cnt_v, parts_hbm.at[wid])


def _sc_gather(parts_hbm, ins_hbm, d_hbm, parts_v, dil_v, chunk_v, dout_v):
    wid = lax.axis_index("s") * _NUM_CORES + lax.axis_index("c")
    chunk = chunk_v.shape[0]
    pltpu.sync_copy(parts_hbm, parts_v)
    pltpu.sync_copy(ins_hbm.at[pl.ds(wid * chunk, chunk)], chunk_v)

    zeros = jnp.zeros((_L,), jnp.int32)
    for i in range(_NUM_INS // _L):
        acc = zeros
        for r in range(_NW):
            acc = acc + parts_v[r, pl.ds(i * _L, _L)]
        dil = (
            jnp.int32(1)
            + (acc >= 3).astype(jnp.int32)
            + (acc >= 7).astype(jnp.int32)
            + (acc >= 15).astype(jnp.int32)
        )
        dil_v[pl.ds(i * _L, _L)] = dil.astype(jnp.float32)

    def body(i, carry):
        v = chunk_v[pl.ds(i * _L, _L)]
        dout_v[pl.ds(i * _L, _L)] = plsc.load_gather(dil_v, [v])
        return carry

    lax.fori_loop(0, chunk // _L, body, 0)
    pltpu.sync_copy(dout_v, d_hbm.at[pl.ds(wid * chunk, chunk)])


def _make_sc_parts(n):
    chunk = n // _NW
    mesh = plsc.VectorSubcoreMesh(core_axis_name="c", subcore_axis_name="s")
    return functools.partial(
        pl.kernel,
        mesh=mesh,
        out_type=jax.ShapeDtypeStruct((_NW, _NUM_INS), jnp.int32),
        scratch_types=[
            pltpu.VMEM((chunk,), jnp.int32),
            pltpu.VMEM((_NUM_INS,), jnp.int32),
        ],
        compiler_params=pltpu.CompilerParams(needs_layout_passes=False),
    )(_sc_hist)


def _make_sc_dilation(n):
    chunk = n // _NW
    mesh = plsc.VectorSubcoreMesh(core_axis_name="c", subcore_axis_name="s")
    return functools.partial(
        pl.kernel,
        mesh=mesh,
        out_type=jax.ShapeDtypeStruct((n,), jnp.float32),
        scratch_types=[
            pltpu.VMEM((_NW, _NUM_INS), jnp.int32),
            pltpu.VMEM((_NUM_INS,), jnp.float32),
            pltpu.VMEM((chunk,), jnp.int32),
            pltpu.VMEM((chunk,), jnp.float32),
        ],
        compiler_params=pltpu.CompilerParams(needs_layout_passes=False),
    )(_sc_gather)


def _copy_body(feat_ref, fout_ref):
    fout_ref[...] = feat_ref[...]


def _exp_body(x_ref, out_ref):
    f32 = jnp.float32
    i32 = jnp.int32
    bf16 = jnp.bfloat16
    b = x_ref.shape[1]
    cc = lax.broadcasted_iota(i32, (108, 9), 0)
    jj = lax.broadcasted_iota(i32, (108, 9), 1)
    j = cc & 3
    k = cc >> 2
    dz = k // 9 - 1
    dy = (k // 3) % 3 - 1
    dx = k % 3 - 1
    offv = jnp.where(j == 0, 0, jnp.where(j == 1, dz, jnp.where(j == 2, dy, dx)))
    sel_hi = jnp.where(j == (jj & 3), 8, 0)
    sel_lo = (j == (jj & 3)).astype(i32)
    m = jnp.where(jj < 4, sel_hi, jnp.where(jj < 8, sel_lo, offv)).astype(bf16)
    outf = jnp.dot(m, x_ref[...], preferred_element_type=f32)
    out_ref[...] = outf.astype(i32).reshape(27, 4, b)


def kernel(features, indices, ins_indices_batch, ins_ids):
    n = features.shape[0]
    assert ins_ids.shape[0] == _NUM_INS and n % (_NW * _L) == 0
    bf = 16384
    feat_out = pl.pallas_call(
        _copy_body,
        grid=(n // bf,),
        in_specs=[pl.BlockSpec((bf, features.shape[1]), lambda i: (i, 0))],
        out_specs=pl.BlockSpec((bf, features.shape[1]), lambda i: (i, 0)),
        out_shape=jax.ShapeDtypeStruct(features.shape, features.dtype),
    )(features)
    parts = _make_sc_parts(n)(ins_indices_batch)
    d = _make_sc_dilation(n)(parts, ins_indices_batch)
    idx_t = indices.T
    x = jnp.concatenate(
        [
            (idx_t >> 3).astype(jnp.bfloat16),
            (idx_t & 7).astype(jnp.bfloat16),
            d.reshape(1, n).astype(jnp.bfloat16),
        ],
        axis=0,
    )
    b = _BLOCK_ROWS
    out3 = pl.pallas_call(
        _exp_body,
        grid=(n // b,),
        in_specs=[pl.BlockSpec((9, b), lambda i: (0, i))],
        out_specs=pl.BlockSpec((27, 4, b), lambda i: (0, 0, i)),
        out_shape=jax.ShapeDtypeStruct((27, 4, n), jnp.int32),
    )(x)
    return feat_out, jnp.transpose(out3, (2, 0, 1))

# --- scband reference (transcript-rebuilt; emitter-appended) ---
"""Pipeline reference for scband-sparse-ins-dilate-conv-57982058496584 (READ-ONLY COPY).

The authoritative reference and input builder live on the scoring server;
editing this copy changes nothing except your own understanding.
"""

import jax, jax.numpy as jnp
import numpy as np


def setup_inputs(seed: int = 0) -> dict:
    key = jax.random.key(seed)
    k1, k2, k3 = jax.random.split(key, 3)
    N = 262144
    C = 128
    NUM_INS = 64
    features = jax.random.normal(k1, (N, C), dtype=jnp.float32)
    indices = jax.random.randint(k2, (N, 4), 0, 1024, dtype=jnp.int32)
    ins_indices_batch = jax.random.randint(k3, (N,), 0, NUM_INS, dtype=jnp.int32)
    ins_ids = jnp.arange(NUM_INS, dtype=jnp.int32)
    return {"features": features, "indices": indices, "ins_indices_batch": ins_indices_batch, "ins_ids": ins_ids}


def reference(features, indices, ins_indices_batch, ins_ids):
    # Faithful JAX analog of SparseInsDilateConv.forward:
    # the torch module loops over instance ids, and for each instance's voxels
    # builds dilated 3x3x3 indice pairs via spconv ops.get_indice_pairs
    # (kernel_size=3, stride=1, padding=0), with dilation `d` depending on
    # instance size (the module's TODO). Features are passed through unchanged.
    N = features.shape[0]
    num_ins = ins_ids.shape[0]
    # instance sizes (voxel counts) -> instance-size-dependent dilation d
    counts = jax.ops.segment_sum(jnp.ones((N,), jnp.float32), ins_indices_batch, num_segments=num_ins)
    dil = jnp.clip(jnp.floor(jnp.log2(counts + 1.0)), 1.0, 4.0).astype(jnp.int32)
    per_voxel_d = dil[jnp.clip(ins_indices_batch, 0, num_ins - 1)]  # gather per-voxel dilation
    # 3x3x3 kernel offsets
    r = jnp.arange(-1, 2, dtype=jnp.int32)
    zz, yy, xx = jnp.meshgrid(r, r, r, indexing='ij')
    off = jnp.stack([zz, yy, xx], axis=-1).reshape(-1, 3)  # [27, 3]
    coords = indices[:, 1:4]  # [N, 3] spatial zyx coords
    # dilated output indice candidates for every active voxel: [N, 27, 3]
    dilated = coords[:, None, :] + off[None, :, :] * per_voxel_d[:, None, None]
    batch_col = jnp.broadcast_to(indices[:, 0:1][:, None, :], (N, 27, 1))
    outids = jnp.concatenate([batch_col, dilated], axis=-1)  # [N, 27, 4]
    # module returns x: features unchanged, with new indice pairs attached
    return features, outids

if __name__ == "__main__":
    import jax
    _d = setup_inputs()
    print(jax.jit(kernel)(*tuple(_d.values())))

</pallas_src>

<mosaic_0001>
#map = affine_map<(d0, d1) -> (0, 0)>
#map1 = affine_map<(d0, d1) -> (0)>
module attributes {stable_mosaic.version = 14 : i64} {
  func.func @_sc_gather(%arg0: i32, %arg1: i32, %arg2: memref<32x64xi32, #tpu.memory_space<hbm>>, %arg3: memref<262144xi32, #tpu.memory_space<hbm>>, %arg4: memref<262144xf32, #tpu.memory_space<hbm>>, %arg5: memref<32x64xi32, #tpu.memory_space<vmem>>, %arg6: memref<64xf32, #tpu.memory_space<vmem>>, %arg7: memref<8192xi32, #tpu.memory_space<vmem>>, %arg8: memref<8192xf32, #tpu.memory_space<vmem>>) attributes {dimension_semantics = [#tpu.dimension_semantics<core_parallel>, #tpu.dimension_semantics<subcore_parallel>], iteration_bounds = array<i64: 2, 16>, scalar_prefetch = 0 : i64, scratch_operands = 4 : i64, tpu.core_type = #tpu.core_type<sc_vector_subcore>, window_params = [{transform_indices = #map}, {transform_indices = #map1}, {transform_indices = #map1}]} {
    %mul3A = arith.constant 2 : i32
    %mul3A_0 = arith.muli %arg1, %mul3A : i32
    %add3A = arith.addi %mul3A_0, %arg0 : i32
    "tpu.region"() ({
      %run_scoped3A = tpu.sem_alloc : memref<!tpu.dma_semaphore, #tpu.memory_space<semaphore_mem>>
      tpu.enqueue_dma source(%arg2 : memref<32x64xi32, #tpu.memory_space<hbm>>) target(%arg5 : memref<32x64xi32, #tpu.memory_space<vmem>>) target_semaphore(%run_scoped3A : memref<!tpu.dma_semaphore, #tpu.memory_space<semaphore_mem>>)
      tpu.wait_dma2 semaphore(%run_scoped3A : memref<!tpu.dma_semaphore, #tpu.memory_space<semaphore_mem>>) src(%arg2 : memref<32x64xi32, #tpu.memory_space<hbm>>) dst(%arg5 : memref<32x64xi32, #tpu.memory_space<vmem>>)
      tpu.yield
    }) : () -> ()
    %mul3A_1 = arith.constant 8192 : i32
    %mul3A_2 = arith.muli %add3A, %mul3A_1 : i32
    "tpu.region"() ({
      %run_scoped3A = tpu.sem_alloc : memref<!tpu.dma_semaphore, #tpu.memory_space<semaphore_mem>>
      %dma_start3A = tpu.memref_slice %arg3[%mul3A_2] : memref<262144xi32, #tpu.memory_space<hbm>> -> memref<8192xi32, #tpu.memory_space<hbm>>
      %dma_start3A_727 = tpu.memref_slice %arg3[%mul3A_2] : memref<262144xi32, #tpu.memory_space<hbm>> -> memref<8192xi32, #tpu.memory_space<hbm>>
      tpu.enqueue_dma source(%dma_start3A_727 : memref<8192xi32, #tpu.memory_space<hbm>>) target(%arg7 : memref<8192xi32, #tpu.memory_space<vmem>>) target_semaphore(%run_scoped3A : memref<!tpu.dma_semaphore, #tpu.memory_space<semaphore_mem>>)
      %dma_wait3A = tpu.memref_slice %arg3[%mul3A_2] : memref<262144xi32, #tpu.memory_space<hbm>> -> memref<8192xi32, #tpu.memory_space<hbm>>
      %dma_wait3A_728 = tpu.memref_slice %arg3[%mul3A_2] : memref<262144xi32, #tpu.memory_space<hbm>> -> memref<8192xi32, #tpu.memory_space<hbm>>
      tpu.wait_dma2 semaphore(%run_scoped3A : memref<!tpu.dma_semaphore, #tpu.memory_space<semaphore_mem>>) src(%dma_wait3A_728 : memref<8192xi32, #tpu.memory_space<hbm>>) dst(%arg7 : memref<8192xi32, #tpu.memory_space<vmem>>)
      tpu.yield
    }) : () -> ()
    %broadcast_in_dim3A = arith.constant 0 : i32
    %broadcast_in_dim3A_3 = vector.broadcast %broadcast_in_dim3A : i32 to vector<16xi32>
    %get3A = arith.constant 0 : i32
    %get3A_4 = arith.index_cast %get3A : i32 to index
    %get3A_5 = arith.constant 0 : index
    %get3A_6 = tpu.vector_load %arg5[%get3A_4, %get3A_5] {strides = array<i32>} : memref<32x64xi32, #tpu.memory_space<vmem>>, vector<16xi32>,
    %add3A_7 = arith.addi %broadcast_in_dim3A_3, %get3A_6 : vector<16xi32>
    %get3A_8 = arith.constant 1 : i32
    %get3A_9 = arith.index_cast %get3A_8 : i32 to index
    %get3A_10 = arith.constant 0 : index
    %get3A_11 = tpu.vector_load %arg5[%get3A_9, %get3A_10] {strides = array<i32>} : memref<32x64xi32, #tpu.memory_space<vmem>>, vector<16xi32>,
    %add3A_12 = arith.addi %add3A_7, %get3A_11 : vector<16xi32>
    %get3A_13 = arith.constant 2 : i32
    %get3A_14 = arith.index_cast %get3A_13 : i32 to index
    %get3A_15 = arith.constant 0 : index
    %get3A_16 = tpu.vector_load %arg5[%get3A_14, %get3A_15] {strides = array<i32>} : memref<32x64xi32, #tpu.memory_space<vmem>>, vector<16xi32>,
    %add3A_17 = arith.addi %add3A_12, %get3A_16 : vector<16xi32>
    %get3A_18 = arith.constant 3 : i32
    %get3A_19 = arith.index_cast %get3A_18 : i32 to index
    %get3A_20 = arith.constant 0 : index
    %get3A_21 = tpu.vector_load %arg5[%get3A_19, %get3A_20] {strides = array<i32>} : memref<32x64xi32, #tpu.memory_space<vmem>>, vector<16xi32>,
    %add3A_22 = arith.addi %add3A_17, %get3A_21 : vector<16xi32>
    %get3A_23 = arith.constant 4 : i32
    %get3A_24 = arith.index_cast %get3A_23 : i32 to index
    %get3A_25 = arith.constant 0 : index
    %get3A_26 = tpu.vector_load %arg5[%get3A_24, %get3A_25] {strides = array<i32>} : memref<32x64xi32, #tpu.memory_space<vmem>>, vector<16xi32>,
    %add3A_27 = arith.addi %add3A_22, %get3A_26 : vector<16xi32>
    %get3A_28 = arith.constant 5 : i32
    %get3A_29 = arith.index_cast %get3A_28 : i32 to index
    %get3A_30 = arith.constant 0 : index
    %get3A_31 = tpu.vector_load %arg5[%get3A_29, %get3A_30] {strides = array<i32>} : memref<32x64xi32, #tpu.memory_space<vmem>>, vector<16xi32>,
    %add3A_32 = arith.addi %add3A_27, %get3A_31 : vector<16xi32>
    %get3A_33 = arith.constant 6 : i32
    %get3A_34 = arith.index_cast %get3A_33 : i32 to index
    %get3A_35 = arith.constant 0 : index
    %get3A_36 = tpu.vector_load %arg5[%get3A_34, %get3A_35] {strides = array<i32>} : memref<32x64xi32, #tpu.memory_space<vmem>>, vector<16xi32>,
    %add3A_37 = arith.addi %add3A_32, %get3A_36 : vector<16xi32>
    %get3A_38 = arith.constant 7 : i32
    %get3A_39 = arith.index_cast %get3A_38 : i32 to index
    %get3A_40 = arith.constant 0 : index
    %get3A_41 = tpu.vector_load %arg5[%get3A_39, %get3A_40] {strides = array<i32>} : memref<32x64xi32, #tpu.memory_space<vmem>>, vector<16xi32>,
    %add3A_42 = arith.addi %add3A_37, %get3A_41 : vector<16xi32>
    %get3A_43 = arith.constant 8 : i32
    %get3A_44 = arith.index_cast %get3A_43 : i32 to index
    %get3A_45 = arith.constant 0 : index
    %get3A_46 = tpu.vector_load %arg5[%get3A_44, %get3A_45] {strides = array<i32>} : memref<32x64xi32, #tpu.memory_space<vmem>>, vector<16xi32>,
    %add3A_47 = arith.addi %add3A_42, %get3A_46 : vector<16xi32>
    %get3A_48 = arith.constant 9 : i32
    %get3A_49 = arith.index_cast %get3A_48 : i32 to index
    %get3A_50 = arith.constant 0 : index
    %get3A_51 = tpu.vector_load %arg5[%get3A_49, %get3A_50] {strides = array<i32>} : memref<32x64xi32, #tpu.memory_space<vmem>>, vector<16xi32>,
    %add3A_52 = arith.addi %add3A_47, %get3A_51 : vector<16xi32>
    %get3A_53 = arith.constant 10 : i32
    %get3A_54 = arith.index_cast %get3A_53 : i32 to index
    %get3A_55 = arith.constant 0 : index
    %get3A_56 = tpu.vector_load %arg5[%get3A_54, %get3A_55] {strides = array<i32>} : memref<32x64xi32, #tpu.memory_space<vmem>>, vector<16xi32>,
    %add3A_57 = arith.addi %add3A_52, %get3A_56 : vector<16xi32>
    %get3A_58 = arith.constant 11 : i32
    %get3A_59 = arith.index_cast %get3A_58 : i32 to index
    %get3A_60 = arith.constant 0 : index
    %get3A_61 = tpu.vector_load %arg5[%get3A_59, %get3A_60] {strides = array<i32>} : memref<32x64xi32, #tpu.memory_space<vmem>>, vector<16xi32>,
    %add3A_62 = arith.addi %add3A_57, %get3A_61 : vector<16xi32>
    %get3A_63 = arith.constant 12 : i32
    %get3A_64 = arith.index_cast %get3A_63 : i32 to index
    %get3A_65 = arith.constant 0 : index
    %get3A_66 = tpu.vector_load %arg5[%get3A_64, %get3A_65] {strides = array<i32>} : memref<32x64xi32, #tpu.memory_space<vmem>>, vector<16xi32>,
    %add3A_67 = arith.addi %add3A_62, %get3A_66 : vector<16xi32>
    %get3A_68 = arith.constant 13 : i32
    %get3A_69 = arith.index_cast %get3A_68 : i32 to index
    %get3A_70 = arith.constant 0 : index
    %get3A_71 = tpu.vector_load %arg5[%get3A_69, %get3A_70] {strides = array<i32>} : memref<32x64xi32, #tpu.memory_space<vmem>>, vector<16xi32>,
    %add3A_72 = arith.addi %add3A_67, %get3A_71 : vector<16xi32>
    %get3A_73 = arith.constant 14 : i32
    %get3A_74 = arith.index_cast %get3A_73 : i32 to index
    %get3A_75 = arith.constant 0 : index
    %get3A_76 = tpu.vector_load %arg5[%get3A_74, %get3A_75] {strides = array<i32>} : memref<32x64xi32, #tpu.memory_space<vmem>>, vector<16xi32>,
    %add3A_77 = arith.addi %add3A_72, %get3A_76 : vector<16xi32>
    %get3A_78 = arith.constant 15 : i32
    %get3A_79 = arith.index_cast %get3A_78 : i32 to index
    %get3A_80 = arith.constant 0 : index
    %get3A_81 = tpu.vector_load %arg5[%get3A_79, %get3A_80] {strides = array<i32>} : memref<32x64xi32, #tpu.memory_space<vmem>>, vector<16xi32>,
    %add3A_82 = arith.addi %add3A_77, %get3A_81 : vector<16xi32>
    %get3A_83 = arith.constant 16 : i32
    %get3A_84 = arith.index_cast %get3A_83 : i32 to index
    %get3A_85 = arith.constant 0 : index
    %get3A_86 = tpu.vector_load %arg5[%get3A_84, %get3A_85] {strides = array<i32>} : memref<32x64xi32, #tpu.memory_space<vmem>>, vector<16xi32>,
    %add3A_87 = arith.addi %add3A_82, %get3A_86 : vector<16xi32>
    %get3A_88 = arith.constant 17 : i32
    %get3A_89 = arith.index_cast %get3A_88 : i32 to index
    %get3A_90 = arith.constant 0 : index
    %get3A_91 = tpu.vector_load %arg5[%get3A_89, %get3A_90] {strides = array<i32>} : memref<32x64xi32, #tpu.memory_space<vmem>>, vector<16xi32>,
    %add3A_92 = arith.addi %add3A_87, %get3A_91 : vector<16xi32>
    %get3A_93 = arith.constant 18 : i32
    %get3A_94 = arith.index_cast %get3A_93 : i32 to index
    %get3A_95 = arith.constant 0 : index
    %get3A_96 = tpu.vector_load %arg5[%get3A_94, %get3A_95] {strides = array<i32>} : memref<32x64xi32, #tpu.memory_space<vmem>>, vector<16xi32>,
    %add3A_97 = arith.addi %add3A_92, %get3A_96 : vector<16xi32>
    %get3A_98 = arith.constant 19 : i32
    %get3A_99 = arith.index_cast %get3A_98 : i32 to index
    %get3A_100 = arith.constant 0 : index
    %get3A_101 = tpu.vector_load %arg5[%get3A_99, %get3A_100] {strides = array<i32>} : memref<32x64xi32, #tpu.memory_space<vmem>>, vector<16xi32>,
    %add3A_102 = arith.addi %add3A_97, %get3A_101 : vector<16xi32>
    %get3A_103 = arith.constant 20 : i32
    %get3A_104 = arith.index_cast %get3A_103 : i32 to index
    %get3A_105 = arith.constant 0 : index
    %get3A_106 = tpu.vector_load %arg5[%get3A_104, %get3A_105] {strides = array<i32>} : memref<32x64xi32, #tpu.memory_space<vmem>>, vector<16xi32>,
    %add3A_107 = arith.addi %add3A_102, %get3A_106 : vector<16xi32>
    %get3A_108 = arith.constant 21 : i32
    %get3A_109 = arith.index_cast %get3A_108 : i32 to index
    %get3A_110 = arith.constant 0 : index
    %get3A_111 = tpu.vector_load %arg5[%get3A_109, %get3A_110] {strides = array<i32>} : memref<32x64xi32, #tpu.memory_space<vmem>>, vector<16xi32>,
    %add3A_112 = arith.addi %add3A_107, %get3A_111 : vector<16xi32>
    %get3A_113 = arith.constant 22 : i32
    %get3A_114 = arith.index_cast %get3A_113 : i32 to index
    %get3A_115 = arith.constant 0 : index
    %get3A_116 = tpu.vector_load %arg5[%get3A_114, %get3A_115] {strides = array<i32>} : memref<32x64xi32, #tpu.memory_space<vmem>>, vector<16xi32>,
    %add3A_117 = arith.addi %add3A_112, %get3A_116 : vector<16xi32>
    %get3A_118 = arith.constant 23 : i32
    %get3A_119 = arith.index_cast %get3A_118 : i32 to index
    %get3A_120 = arith.constant 0 : index
    %get3A_121 = tpu.vector_load %arg5[%get3A_119, %get3A_120] {strides = array<i32>} : memref<32x64xi32, #tpu.memory_space<vmem>>, vector<16xi32>,
    %add3A_122 = arith.addi %add3A_117, %get3A_121 : vector<16xi32>
    %get3A_123 = arith.constant 24 : i32
    %get3A_124 = arith.index_cast %get3A_123 : i32 to index
    %get3A_125 = arith.constant 0 : index
    %get3A_126 = tpu.vector_load %arg5[%get3A_124, %get3A_125] {strides = array<i32>} : memref<32x64xi32, #tpu.memory_space<vmem>>, vector<16xi32>,
    %add3A_127 = arith.addi %add3A_122, %get3A_126 : vector<16xi32>
    %get3A_128 = arith.constant 25 : i32
    %get3A_129 = arith.index_cast %get3A_128 : i32 to index
    %get3A_130 = arith.constant 0 : index
    %get3A_131 = tpu.vector_load %arg5[%get3A_129, %get3A_130] {strides = array<i32>} : memref<32x64xi32, #tpu.memory_space<vmem>>, vector<16xi32>,
    %add3A_132 = arith.addi %add3A_127, %get3A_131 : vector<16xi32>
    %get3A_133 = arith.constant 26 : i32
    %get3A_134 = arith.index_cast %get3A_133 : i32 to index
    %get3A_135 = arith.constant 0 : index
    %get3A_136 = tpu.vector_load %arg5[%get3A_134, %get3A_135] {strides = array<i32>} : memref<32x64xi32, #tpu.memory_space<vmem>>, vector<16xi32>,
    %add3A_137 = arith.addi %add3A_132, %get3A_136 : vector<16xi32>
    %get3A_138 = arith.constant 27 : i32
    %get3A_139 = arith.index_cast %get3A_138 : i32 to index
    %get3A_140 = arith.constant 0 : index
    %get3A_141 = tpu.vector_load %arg5[%get3A_139, %get3A_140] {strides = array<i32>} : memref<32x64xi32, #tpu.memory_space<vmem>>, vector<16xi32>,
    %add3A_142 = arith.addi %add3A_137, %get3A_141 : vector<16xi32>
    %get3A_143 = arith.constant 28 : i32
    %get3A_144 = arith.index_cast %get3A_143 : i32 to index
    %get3A_145 = arith.constant 0 : index
    %get3A_146 = tpu.vector_load %arg5[%get3A_144, %get3A_145] {strides = array<i32>} : memref<32x64xi32, #tpu.memory_space<vmem>>, vector<16xi32>,
    %add3A_147 = arith.addi %add3A_142, %get3A_146 : vector<16xi32>
    %get3A_148 = arith.constant 29 : i32
    %get3A_149 = arith.index_cast %get3A_148 : i32 to index
    %get3A_150 = arith.constant 0 : index
    %get3A_151 = tpu.vector_load %arg5[%get3A_149, %get3A_150] {strides = array<i32>} : memref<32x64xi32, #tpu.memory_space<vmem>>, vector<16xi32>,
    %add3A_152 = arith.addi %add3A_147, %get3A_151 : vector<16xi32>
    %get3A_153 = arith.constant 30 : i32
    %get3A_154 = arith.index_cast %get3A_153 : i32 to index
    %get3A_155 = arith.constant 0 : index
    %get3A_156 = tpu.vector_load %arg5[%get3A_154, %get3A_155] {strides = array<i32>} : memref<32x64xi32, #tpu.memory_space<vmem>>, vector<16xi32>,
    %add3A_157 = arith.addi %add3A_152, %get3A_156 : vector<16xi32>
    %get3A_158 = arith.constant 31 : i32
    %get3A_159 = arith.index_cast %get3A_158 : i32 to index
    %get3A_160 = arith.constant 0 : index
    %get3A_161 = tpu.vector_load %arg5[%get3A_159, %get3A_160] {strides = array<i32>} : memref<32x64xi32, #tpu.memory_space<vmem>>, vector<16xi32>,
    %add3A_162 = arith.addi %add3A_157, %get3A_161 : vector<16xi32>
    %ge3A = arith.constant 3 : i32
    %ge3A_163 = vector.broadcast %ge3A : i32 to vector<16xi32>
    %ge3A_164 = arith.cmpi sge, %add3A_162, %ge3A_163 : vector<16xi32>
    %convert_element_type3A = arith.extui %ge3A_164 : vector<16xi1> to vector<16xi32>
    %add3A_165 = arith.constant 1 : i32
    %add3A_166 = vector.broadcast %add3A_165 : i32 to vector<16xi32>
    %add3A_167 = arith.addi %add3A_166, %convert_element_type3A : vector<16xi32>
    %ge3A_168 = arith.constant 7 : i32
    %ge3A_169 = vector.broadcast %ge3A_168 : i32 to vector<16xi32>
    %ge3A_170 = arith.cmpi sge, %add3A_162, %ge3A_169 : vector<16xi32>
    %convert_element_type3A_171 = arith.extui %ge3A_170 : vector<16xi1> to vector<16xi32>
    %add3A_172 = arith.addi %add3A_167, %convert_element_type3A_171 : vector<16xi32>
    %ge3A_173 = arith.constant 15 : i32
    %ge3A_174 = vector.broadcast %ge3A_173 : i32 to vector<16xi32>
    %ge3A_175 = arith.cmpi sge, %add3A_162, %ge3A_174 : vector<16xi32>
    %convert_element_type3A_176 = arith.extui %ge3A_175 : vector<16xi1> to vector<16xi32>
    %add3A_177 = arith.addi %add3A_172, %convert_element_type3A_176 : vector<16xi32>
    %convert_element_type3A_178 = arith.sitofp %add3A_177 : vector<16xi32> to vector<16xf32>
    %swap3A = arith.constant 0 : index
    %swap3A_179 = tpu.vector_load %arg6[%swap3A] {strides = array<i32>} : memref<64xf32, #tpu.memory_space<vmem>>, vector<16xf32>,
    tpu.vector_store %arg6[%swap3A], %convert_element_type3A_178 {strides = array<i32>} : memref<64xf32, #tpu.memory_space<vmem>>, vector<16xf32>,
    %get3A_180 = arith.constant 0 : i32
    %get3A_181 = arith.index_cast %get3A_180 : i32 to index
    %get3A_182 = arith.constant 16 : index
    %get3A_183 = tpu.vector_load %arg5[%get3A_181, %get3A_182] {strides = array<i32>} : memref<32x64xi32, #tpu.memory_space<vmem>>, vector<16xi32>,
    %add3A_184 = arith.addi %broadcast_in_dim3A_3, %get3A_183 : vector<16xi32>
    %get3A_185 = arith.constant 1 : i32
    %get3A_186 = arith.index_cast %get3A_185 : i32 to index
    %get3A_187 = arith.constant 16 : index
    %get3A_188 = tpu.vector_load %arg5[%get3A_186, %get3A_187] {strides = array<i32>} : memref<32x64xi32, #tpu.memory_space<vmem>>, vector<16xi32>,
    %add3A_189 = arith.addi %add3A_184, %get3A_188 : vector<16xi32>
    %get3A_190 = arith.constant 2 : i32
    %get3A_191 = arith.index_cast %get3A_190 : i32 to index
    %get3A_192 = arith.constant 16 : index
    %get3A_193 = tpu.vector_load %arg5[%get3A_191, %get3A_192] {strides = array<i32>} : memref<32x64xi32, #tpu.memory_space<vmem>>, vector<16xi32>,
    %add3A_194 = arith.addi %add3A_189, %get3A_193 : vector<16xi32>
    %get3A_195 = arith.constant 3 : i32
    %get3A_196 = arith.index_cast %get3A_195 : i32 to index
    %get3A_197 = arith.constant 16 : index
    %get3A_198 = tpu.vector_load %arg5[%get3A_196, %get3A_197] {strides = array<i32>} : memref<32x64xi32, #tpu.memory_space<vmem>>, vector<16xi32>,
    %add3A_199 = arith.addi %add3A_194, %get3A_198 : vector<16xi32>
    %get3A_200 = arith.constant 4 : i32
    %get3A_201 = arith.index_cast %get3A_200 : i32 to index
    %get3A_202 = arith.constant 16 : index
    %get3A_203 = tpu.vector_load %arg5[%get3A_201, %get3A_202] {strides = array<i32>} : memref<32x64xi32, #tpu.memory_space<vmem>>, vector<16xi32>,
    %add3A_204 = arith.addi %add3A_199, %get3A_203 : vector<16xi32>
    %get3A_205 = arith.constant 5 : i32
    %get3A_206 = arith.index_cast %get3A_205 : i32 to index
    %get3A_207 = arith.constant 16 : index
    %get3A_208 = tpu.vector_load %arg5[%get3A_206, %get3A_207] {strides = array<i32>} : memref<32x64xi32, #tpu.memory_space<vmem>>, vector<16xi32>,
    %add3A_209 = arith.addi %add3A_204, %get3A_208 : vector<16xi32>
    %get3A_210 = arith.constant 6 : i32
    %get3A_211 = arith.index_cast %get3A_210 : i32 to index
    %get3A_212 = arith.constant 16 : index
    %get3A_213 = tpu.vector_load %arg5[%get3A_211, %get3A_212] {strides = array<i32>} : memref<32x64xi32, #tpu.memory_space<vmem>>, vector<16xi32>,
    %add3A_214 = arith.addi %add3A_209, %get3A_213 : vector<16xi32>
    %get3A_215 = arith.constant 7 : i32
    %get3A_216 = arith.index_cast %get3A_215 : i32 to index
    %get3A_217 = arith.constant 16 : index
    %get3A_218 = tpu.vector_load %arg5[%get3A_216, %get3A_217] {strides = array<i32>} : memref<32x64xi32, #tpu.memory_space<vmem>>, vector<16xi32>,
    %add3A_219 = arith.addi %add3A_214, %get3A_218 : vector<16xi32>
    %get3A_220 = arith.constant 8 : i32
    %get3A_221 = arith.index_cast %get3A_220 : i32 to index
    %get3A_222 = arith.constant 16 : index
    %get3A_223 = tpu.vector_load %arg5[%get3A_221, %get3A_222] {strides = array<i32>} : memref<32x64xi32, #tpu.memory_space<vmem>>, vector<16xi32>,
    %add3A_224 = arith.addi %add3A_219, %get3A_223 : vector<16xi32>
    %get3A_225 = arith.constant 9 : i32
    %get3A_226 = arith.index_cast %get3A_225 : i32 to index
    %get3A_227 = arith.constant 16 : index
    %get3A_228 = tpu.vector_load %arg5[%get3A_226, %get3A_227] {strides = array<i32>} : memref<32x64xi32, #tpu.memory_space<vmem>>, vector<16xi32>,
    %add3A_229 = arith.addi %add3A_224, %get3A_228 : vector<16xi32>
    %get3A_230 = arith.constant 10 : i32
    %get3A_231 = arith.index_cast %get3A_230 : i32 to index
    %get3A_232 = arith.constant 16 : index
    %get3A_233 = tpu.vector_load %arg5[%get3A_231, %get3A_232] {strides = array<i32>} : memref<32x64xi32, #tpu.memory_space<vmem>>, vector<16xi32>,
    %add3A_234 = arith.addi %add3A_229, %get3A_233 : vector<16xi32>
    %get3A_235 = arith.constant 11 : i32
    %get3A_236 = arith.index_cast %get3A_235 : i32 to index
    %get3A_237 = arith.constant 16 : index
    %get3A_238 = tpu.vector_load %arg5[%get3A_236, %get3A_237] {strides = array<i32>} : memref<32x64xi32, #tpu.memory_space<vmem>>, vector<16xi32>,
    %add3A_239 = arith.addi %add3A_234, %get3A_238 : vector<16xi32>
    %get3A_240 = arith.constant 12 : i32
    %get3A_241 = arith.index_cast %get3A_240 : i32 to index
    %get3A_242 = arith.constant 16 : index
    %get3A_243 = tpu.vector_load %arg5[%get3A_241, %get3A_242] {strides = array<i32>} : memref<32x64xi32, #tpu.memory_space<vmem>>, vector<16xi32>,
    %add3A_244 = arith.addi %add3A_239, %get3A_243 : vector<16xi32>
    %get3A_245 = arith.constant 13 : i32
    %get3A_246 = arith.index_cast %get3A_245 : i32 to index
    %get3A_247 = arith.constant 16 : index
    %get3A_248 = tpu.vector_load %arg5[%get3A_246, %get3A_247] {strides = array<i32>} : memref<32x64xi32, #tpu.memory_space<vmem>>, vector<16xi32>,
    %add3A_249 = arith.addi %add3A_244, %get3A_248 : vector<16xi32>
    %get3A_250 = arith.constant 14 : i32
    %get3A_251 = arith.index_cast %get3A_250 : i32 to index
    %get3A_252 = arith.constant 16 : index
    %get3A_253 = tpu.vector_load %arg5[%get3A_251, %get3A_252] {strides = array<i32>} : memref<32x64xi32, #tpu.memory_space<vmem>>, vector<16xi32>,
    %add3A_254 = arith.addi %add3A_249, %get3A_253 : vector<16xi32>
    %get3A_255 = arith.constant 15 : i32
    %get3A_256 = arith.index_cast %get3A_255 : i32 to index
    %get3A_257 = arith.constant 16 : index
    %get3A_258 = tpu.vector_load %arg5[%get3A_256, %get3A_257] {strides = array<i32>} : memref<32x64xi32, #tpu.memory_space<vmem>>, vector<16xi32>,
    %add3A_259 = arith.addi %add3A_254, %get3A_258 : vector<16xi32>
    %get3A_260 = arith.constant 16 : i32
    %get3A_261 = arith.index_cast %get3A_260 : i32 to index
    %get3A_262 = arith.constant 16 : index
    %get3A_263 = tpu.vector_load %arg5[%get3A_261, %get3A_262] {strides = array<i32>} : memref<32x64xi32, #tpu.memory_space<vmem>>, vector<16xi32>,
    %add3A_264 = arith.addi %add3A_259, %get3A_263 : vector<16xi32>
    %get3A_265 = arith.constant 17 : i32
    %get3A_266 = arith.index_cast %get3A_265 : i32 to index
    %get3A_267 = arith.constant 16 : index
    %get3A_268 = tpu.vector_load %arg5[%get3A_266, %get3A_267] {strides = array<i32>} : memref<32x64xi32, #tpu.memory_space<vmem>>, vector<16xi32>,
    %add3A_269 = arith.addi %add3A_264, %get3A_268 : vector<16xi32>
    %get3A_270 = arith.constant 18 : i32
    %get3A_271 = arith.index_cast %get3A_270 : i32 to index
    %get3A_272 = arith.constant 16 : index
    %get3A_273 = tpu.vector_load %arg5[%get3A_271, %get3A_272] {strides = array<i32>} : memref<32x64xi32, #tpu.memory_space<vmem>>, vector<16xi32>,
    %add3A_274 = arith.addi %add3A_269, %get3A_273 : vector<16xi32>
    %get3A_275 = arith.constant 19 : i32
    %get3A_276 = arith.index_cast %get3A_275 : i32 to index
    %get3A_277 = arith.constant 16 : index
    %get3A_278 = tpu.vector_load %arg5[%get3A_276, %get3A_277] {strides = array<i32>} : memref<32x64xi32, #tpu.memory_space<vmem>>, vector<16xi32>,
    %add3A_279 = arith.addi %add3A_274, %get3A_278 : vector<16xi32>
    %get3A_280 = arith.constant 20 : i32
    %get3A_281 = arith.index_cast %get3A_280 : i32 to index
    %get3A_282 = arith.constant 16 : index
    %get3A_283 = tpu.vector_load %arg5[%get3A_281, %get3A_282] {strides = array<i32>} : memref<32x64xi32, #tpu.memory_space<vmem>>, vector<16xi32>,
    %add3A_284 = arith.addi %add3A_279, %get3A_283 : vector<16xi32>
    %get3A_285 = arith.constant 21 : i32
    %get3A_286 = arith.index_cast %get3A_285 : i32 to index
    %get3A_287 = arith.constant 16 : index
    %get3A_288 = tpu.vector_load %arg5[%get3A_286, %get3A_287] {strides = array<i32>} : memref<32x64xi32, #tpu.memory_space<vmem>>, vector<16xi32>,
    %add3A_289 = arith.addi %add3A_284, %get3A_288 : vector<16xi32>
    %get3A_290 = arith.constant 22 : i32
    %get3A_291 = arith.index_cast %get3A_290 : i32 to index
    %get3A_292 = arith.constant 16 : index
    %get3A_293 = tpu.vector_load %arg5[%get3A_291, %get3A_292] {strides = array<i32>} : memref<32x64xi32, #tpu.memory_space<vmem>>, vector<16xi32>,
    %add3A_294 = arith.addi %add3A_289, %get3A_293 : vector<16xi32>
    %get3A_295 = arith.constant 23 : i32
    %get3A_296 = arith.index_cast %get3A_295 : i32 to index
    %get3A_297 = arith.constant 16 : index
    %get3A_298 = tpu.vector_load %arg5[%get3A_296, %get3A_297] {strides = array<i32>} : memref<32x64xi32, #tpu.memory_space<vmem>>, vector<16xi32>,
    %add3A_299 = arith.addi %add3A_294, %get3A_298 : vector<16xi32>
    %get3A_300 = arith.constant 24 : i32
    %get3A_301 = arith.index_cast %get3A_300 : i32 to index
    %get3A_302 = arith.constant 16 : index
    %get3A_303 = tpu.vector_load %arg5[%get3A_301, %get3A_302] {strides = array<i32>} : memref<32x64xi32, #tpu.memory_space<vmem>>, vector<16xi32>,
    %add3A_304 = arith.addi %add3A_299, %get3A_303 : vector<16xi32>
    %get3A_305 = arith.constant 25 : i32
    %get3A_306 = arith.index_cast %get3A_305 : i32 to index
    %get3A_307 = arith.constant 16 : index
    %get3A_308 = tpu.vector_load %arg5[%get3A_306, %get3A_307] {strides = array<i32>} : memref<32x64xi32, #tpu.memory_space<vmem>>, vector<16xi32>,
    %add3A_309 = arith.addi %add3A_304, %get3A_308 : vector<16xi32>
    %get3A_310 = arith.constant 26 : i32
    %get3A_311 = arith.index_cast %get3A_310 : i32 to index
    %get3A_312 = arith.constant 16 : index
    %get3A_313 = tpu.vector_load %arg5[%get3A_311, %get3A_312] {strides = array<i32>} : memref<32x64xi32, #tpu.memory_space<vmem>>, vector<16xi32>,
    %add3A_314 = arith.addi %add3A_309, %get3A_313 : vector<16xi32>
    %get3A_315 = arith.constant 27 : i32
    %get3A_316 = arith.index_cast %get3A_315 : i32 to index
    %get3A_317 = arith.constant 16 : index
    %get3A_318 = tpu.vector_load %arg5[%get3A_316, %get3A_317] {strides = array<i32>} : memref<32x64xi32, #tpu.memory_space<vmem>>, vector<16xi32>,
    %add3A_319 = arith.addi %add3A_314, %get3A_318 : vector<16xi32>
    %get3A_320 = arith.constant 28 : i32
    %get3A_321 = arith.index_cast %get3A_320 : i32 to index
    %get3A_322 = arith.constant 16 : index
    %get3A_323 = tpu.vector_load %arg5[%get3A_321, %get3A_322] {strides = array<i32>} : memref<32x64xi32, #tpu.memory_space<vmem>>, vector<16xi32>,
    %add3A_324 = arith.addi %add3A_319, %get3A_323 : vector<16xi32>
    %get3A_325 = arith.constant 29 : i32
    %get3A_326 = arith.index_cast %get3A_325 : i32 to index
    %get3A_327 = arith.constant 16 : index
    %get3A_328 = tpu.vector_load %arg5[%get3A_326, %get3A_327] {strides = array<i32>} : memref<32x64xi32, #tpu.memory_space<vmem>>, vector<16xi32>,
    %add3A_329 = arith.addi %add3A_324, %get3A_328 : vector<16xi32>
    %get3A_330 = arith.constant 30 : i32
    %get3A_331 = arith.index_cast %get3A_330 : i32 to index
    %get3A_332 = arith.constant 16 : index
    %get3A_333 = tpu.vector_load %arg5[%get3A_331, %get3A_332] {strides = array<i32>} : memref<32x64xi32, #tpu.memory_space<vmem>>, vector<16xi32>,
    %add3A_334 = arith.addi %add3A_329, %get3A_333 : vector<16xi32>
    %get3A_335 = arith.constant 31 : i32
    %get3A_336 = arith.index_cast %get3A_335 : i32 to index
    %get3A_337 = arith.constant 16 : index
    %get3A_338 = tpu.vector_load %arg5[%get3A_336, %get3A_337] {strides = array<i32>} : memref<32x64xi32, #tpu.memory_space<vmem>>, vector<16xi32>,
    %add3A_339 = arith.addi %add3A_334, %get3A_338 : vector<16xi32>
    %ge3A_340 = arith.constant 3 : i32
    %ge3A_341 = vector.broadcast %ge3A_340 : i32 to vector<16xi32>
    %ge3A_342 = arith.cmpi sge, %add3A_339, %ge3A_341 : vector<16xi32>
    %convert_element_type3A_343 = arith.extui %ge3A_342 : vector<16xi1> to vector<16xi32>
    %add3A_344 = arith.constant 1 : i32
    %add3A_345 = vector.broadcast %add3A_344 : i32 to vector<16xi32>
    %add3A_346 = arith.addi %add3A_345, %convert_element_type3A_343 : vector<16xi32>
    %ge3A_347 = arith.constant 7 : i32
    %ge3A_348 = vector.broadcast %ge3A_347 : i32 to vector<16xi32>
    %ge3A_349 = arith.cmpi sge, %add3A_339, %ge3A_348 : vector<16xi32>
    %convert_element_type3A_350 = arith.extui %ge3A_349 : vector<16xi1> to vector<16xi32>
    %add3A_351 = arith.addi %add3A_346, %convert_element_type3A_350 : vector<16xi32>
    %ge3A_352 = arith.constant 15 : i32
    %ge3A_353 = vector.broadcast %ge3A_352 : i32 to vector<16xi32>
    %ge3A_354 = arith.cmpi sge, %add3A_339, %ge3A_353 : vector<16xi32>
    %convert_element_type3A_355 = arith.extui %ge3A_354 : vector<16xi1> to vector<16xi32>
    %add3A_356 = arith.addi %add3A_351, %convert_element_type3A_355 : vector<16xi32>
    %convert_element_type3A_357 = arith.sitofp %add3A_356 : vector<16xi32> to vector<16xf32>
    %swap3A_358 = arith.constant 16 : index
    %swap3A_359 = tpu.vector_load %arg6[%swap3A_358] {strides = array<i32>} : memref<64xf32, #tpu.memory_space<vmem>>, vector<16xf32>,
    tpu.vector_store %arg6[%swap3A_358], %convert_element_type3A_357 {strides = array<i32>} : memref<64xf32, #tpu.memory_space<vmem>>, vector<16xf32>,
    %get3A_360 = arith.constant 0 : i32
    %get3A_361 = arith.index_cast %get3A_360 : i32 to index
    %get3A_362 = arith.constant 32 : index
    %get3A_363 = tpu.vector_load %arg5[%get3A_361, %get3A_362] {strides = array<i32>} : memref<32x64xi32, #tpu.memory_space<vmem>>, vector<16xi32>,
    %add3A_364 = arith.addi %broadcast_in_dim3A_3, %get3A_363 : vector<16xi32>
    %get3A_365 = arith.constant 1 : i32
    %get3A_366 = arith.index_cast %get3A_365 : i32 to index
    %get3A_367 = arith.constant 32 : index
    %get3A_368 = tpu.vector_load %arg5[%get3A_366, %get3A_367] {strides = array<i32>} : memref<32x64xi32, #tpu.memory_space<vmem>>, vector<16xi32>,
    %add3A_369 = arith.addi %add3A_364, %get3A_368 : vector<16xi32>
    %get3A_370 = arith.constant 2 : i32
    %get3A_371 = arith.index_cast %get3A_370 : i32 to index
    %get3A_372 = arith.constant 32 : index
    %get3A_373 = tpu.vector_load %arg5[%get3A_371, %get3A_372] {strides = array<i32>} : memref<32x64xi32, #tpu.memory_space<vmem>>, vector<16xi32>,
    %add3A_374 = arith.addi %add3A_369, %get3A_373 : vector<16xi32>
    %get3A_375 = arith.constant 3 : i32
    %get3A_376 = arith.index_cast %get3A_375 : i32 to index
    %get3A_377 = arith.constant 32 : index
    %get3A_378 = tpu.vector_load %arg5[%get3A_376, %get3A_377] {strides = array<i32>} : memref<32x64xi32, #tpu.memory_space<vmem>>, vector<16xi32>,
    %add3A_379 = arith.addi %add3A_374, %get3A_378 : vector<16xi32>
    %get3A_380 = arith.constant 4 : i32
    %get3A_381 = arith.index_cast %get3A_380 : i32 to index
    %get3A_382 = arith.constant 32 : index
    %get3A_383 = tpu.vector_load %arg5[%get3A_381, %get3A_382] {strides = array<i32>} : memref<32x64xi32, #tpu.memory_space<vmem>>, vector<16xi32>,
    %add3A_384 = arith.addi %add3A_379, %get3A_383 : vector<16xi32>
    %get3A_385 = arith.constant 5 : i32
    %get3A_386 = arith.index_cast %get3A_385 : i32 to index
    %get3A_387 = arith.constant 32 : index
    %get3A_388 = tpu.vector_load %arg5[%get3A_386, %get3A_387] {strides = array<i32>} : memref<32x64xi32, #tpu.memory_space<vmem>>, vector<16xi32>,
    %add3A_389 = arith.addi %add3A_384, %get3A_388 : vector<16xi32>
    %get3A_390 = arith.constant 6 : i32
    %get3A_391 = arith.index_cast %get3A_390 : i32 to index
    %get3A_392 = arith.constant 32 : index
    %get3A_393 = tpu.vector_load %arg5[%get3A_391, %get3A_392] {strides = array<i32>} : memref<32x64xi32, #tpu.memory_space<vmem>>, vector<16xi32>,
    %add3A_394 = arith.addi %add3A_389, %get3A_393 : vector<16xi32>
    %get3A_395 = arith.constant 7 : i32
    %get3A_396 = arith.index_cast %get3A_395 : i32 to index
    %get3A_397 = arith.constant 32 : index
    %get3A_398 = tpu.vector_load %arg5[%get3A_396, %get3A_397] {strides = array<i32>} : memref<32x64xi32, #tpu.memory_space<vmem>>, vector<16xi32>,
    %add3A_399 = arith.addi %add3A_394, %get3A_398 : vector<16xi32>
    %get3A_400 = arith.constant 8 : i32
    %get3A_401 = arith.index_cast %get3A_400 : i32 to index
    %get3A_402 = arith.constant 32 : index
    %get3A_403 = tpu.vector_load %arg5[%get3A_401, %get3A_402] {strides = array<i32>} : memref<32x64xi32, #tpu.memory_space<vmem>>, vector<16xi32>,
    %add3A_404 = arith.addi %add3A_399, %get3A_403 : vector<16xi32>
    %get3A_405 = arith.constant 9 : i32
    %get3A_406 = arith.index_cast %get3A_405 : i32 to index
    %get3A_407 = arith.constant 32 : index
    %get3A_408 = tpu.vector_load %arg5[%get3A_406, %get3A_407] {strides = array<i32>} : memref<32x64xi32, #tpu.memory_space<vmem>>, vector<16xi32>,
    %add3A_409 = arith.addi %add3A_404, %get3A_408 : vector<16xi32>
    %get3A_410 = arith.constant 10 : i32
    %get3A_411 = arith.index_cast %get3A_410 : i32 to index
    %get3A_412 = arith.constant 32 : index
    %get3A_413 = tpu.vector_load %arg5[%get3A_411, %get3A_412] {strides = array<i32>} : memref<32x64xi32, #tpu.memory_space<vmem>>, vector<16xi32>,
    %add3A_414 = arith.addi %add3A_409, %get3A_413 : vector<16xi32>
    %get3A_415 = arith.constant 11 : i32
    %get3A_416 = arith.index_cast %get3A_415 : i32 to index
    %get3A_417 = arith.constant 32 : index
    %get3A_418 = tpu.vector_load %arg5[%get3A_416, %get3A_417] {strides = array<i32>} : memref<32x64xi32, #tpu.memory_space<vmem>>, vector<16xi32>,
    %add3A_419 = arith.addi %add3A_414, %get3A_418 : vector<16xi32>
    %get3A_420 = arith.constant 12 : i32
    %get3A_421 = arith.index_cast %get3A_420 : i32 to index
    %get3A_422 = arith.constant 32 : index
    %get3A_423 = tpu.vector_load %arg5[%get3A_421, %get3A_422] {strides = array<i32>} : memref<32x64xi32, #tpu.memory_space<vmem>>, vector<16xi32>,
    %add3A_424 = arith.addi %add3A_419, %get3A_423 : vector<16xi32>
    %get3A_425 = arith.constant 13 : i32
    %get3A_426 = arith.index_cast %get3A_425 : i32 to index
    %get3A_427 = arith.constant 32 : index
    %get3A_428 = tpu.vector_load %arg5[%get3A_426, %get3A_427] {strides = array<i32>} : memref<32x64xi32, #tpu.memory_space<vmem>>, vector<16xi32>,
    %add3A_429 = arith.addi %add3A_424, %get3A_428 : vector<16xi32>
    %get3A_430 = arith.constant 14 : i32
    %get3A_431 = arith.index_cast %get3A_430 : i32 to index
    %get3A_432 = arith.constant 32 : index
    %get3A_433 = tpu.vector_load %arg5[%get3A_431, %get3A_432] {strides = array<i32>} : memref<32x64xi32, #tpu.memory_space<vmem>>, vector<16xi32>,
    %add3A_434 = arith.addi %add3A_429, %get3A_433 : vector<16xi32>
    %get3A_435 = arith.constant 15 : i32
    %get3A_436 = arith.index_cast %get3A_435 : i32 to index
    %get3A_437 = arith.constant 32 : index
    %get3A_438 = tpu.vector_load %arg5[%get3A_436, %get3A_437] {strides = array<i32>} : memref<32x64xi32, #tpu.memory_space<vmem>>, vector<16xi32>,
    %add3A_439 = arith.addi %add3A_434, %get3A_438 : vector<16xi32>
    %get3A_440 = arith.constant 16 : i32
    %get3A_441 = arith.index_cast %get3A_440 : i32 to index
    %get3A_442 = arith.constant 32 : index
    %get3A_443 = tpu.vector_load %arg5[%get3A_441, %get3A_442] {strides = array<i32>} : memref<32x64xi32, #tpu.memory_space<vmem>>, vector<16xi32>,
    %add3A_444 = arith.addi %add3A_439, %get3A_443 : vector<16xi32>
    %get3A_445 = arith.constant 17 : i32
    %get3A_446 = arith.index_cast %get3A_445 : i32 to index
    %get3A_447 = arith.constant 32 : index
    %get3A_448 = tpu.vector_load %arg5[%get3A_446, %get3A_447] {strides = array<i32>} : memref<32x64xi32, #tpu.memory_space<vmem>>, vector<16xi32>,
    %add3A_449 = arith.addi %add3A_444, %get3A_448 : vector<16xi32>
    %get3A_450 = arith.constant 18 : i32
    %get3A_451 = arith.index_cast %get3A_450 : i32 to index
    %get3A_452 = arith.constant 32 : index
    %get3A_453 = tpu.vector_load %arg5[%get3A_451, %get3A_452] {strides = array<i32>} : memref<32x64xi32, #tpu.memory_space<vmem>>, vector<16xi32>,
    %add3A_454 = arith.addi %add3A_449, %get3A_453 : vector<16xi32>
    %get3A_455 = arith.constant 19 : i32
    %get3A_456 = arith.index_cast %get3A_455 : i32 to index
    %get3A_457 = arith.constant 32 : index
    %get3A_458 = tpu.vector_load %arg5[%get3A_456, %get3A_457] {strides = array<i32>} : memref<32x64xi32, #tpu.memory_space<vmem>>, vector<16xi32>,
    %add3A_459 = arith.addi %add3A_454, %get3A_458 : vector<16xi32>
    %get3A_460 = arith.constant 20 : i32
    %get3A_461 = arith.index_cast %get3A_460 : i32 to index
    %get3A_462 = arith.constant 32 : index
    %get3A_463 = tpu.vector_load %arg5[%get3A_461, %get3A_462] {strides = array<i32>} : memref<32x64xi32, #tpu.memory_space<vmem>>, vector<16xi32>,
    %add3A_464 = arith.addi %add3A_459, %get3A_463 : vector<16xi32>
    %get3A_465 = arith.constant 21 : i32
    %get3A_466 = arith.index_cast %get3A_465 : i32 to index
    %get3A_467 = arith.constant 32 : index
    %get3A_468 = tpu.vector_load %arg5[%get3A_466, %get3A_467] {strides = array<i32>} : memref<32x64xi32, #tpu.memory_space<vmem>>, vector<16xi32>,
    %add3A_469 = arith.addi %add3A_464, %get3A_468 : vector<16xi32>
    %get3A_470 = arith.constant 22 : i32
    %get3A_471 = arith.index_cast %get3A_470 : i32 to index
    %get3A_472 = arith.constant 32 : index
    %get3A_473 = tpu.vector_load %arg5[%get3A_471, %get3A_472] {strides = array<i32>} : memref<32x64xi32, #tpu.memory_space<vmem>>, vector<16xi32>,
    %add3A_474 = arith.addi %add3A_469, %get3A_473 : vector<16xi32>
    %get3A_475 = arith.constant 23 : i32
    %get3A_476 = arith.index_cast %get3A_475 : i32 to index
    %get3A_477 = arith.constant 32 : index
    %get3A_478 = tpu.vector_load %arg5[%get3A_476, %get3A_477] {strides = array<i32>} : memref<32x64xi32, #tpu.memory_space<vmem>>, vector<16xi32>,
    %add3A_479 = arith.addi %add3A_474, %get3A_478 : vector<16xi32>
    %get3A_480 = arith.constant 24 : i32
    %get3A_481 = arith.index_cast %get3A_480 : i32 to index
    %get3A_482 = arith.constant 32 : index
    %get3A_483 = tpu.vector_load %arg5[%get3A_481, %get3A_482] {strides = array<i32>} : memref<32x64xi32, #tpu.memory_space<vmem>>, vector<16xi32>,
    %add3A_484 = arith.addi %add3A_479, %get3A_483 : vector<16xi32>
    %get3A_485 = arith.constant 25 : i32
    %get3A_486 = arith.index_cast %get3A_485 : i32 to index
    %get3A_487 = arith.constant 32 : index
    %get3A_488 = tpu.vector_load %arg5[%get3A_486, %get3A_487] {strides = array<i32>} : memref<32x64xi32, #tpu.memory_space<vmem>>, vector<16xi32>,
    %add3A_489 = arith.addi %add3A_484, %get3A_488 : vector<16xi32>
    %get3A_490 = arith.constant 26 : i32
    %get3A_491 = arith.index_cast %get3A_490 : i32 to index
    %get3A_492 = arith.constant 32 : index
    %get3A_493 = tpu.vector_load %arg5[%get3A_491, %get3A_492] {strides = array<i32>} : memref<32x64xi32, #tpu.memory_space<vmem>>, vector<16xi32>,
    %add3A_494 = arith.addi %add3A_489, %get3A_493 : vector<16xi32>
    %get3A_495 = arith.constant 27 : i32
    %get3A_496 = arith.index_cast %get3A_495 : i32 to index
    %get3A_497 = arith.constant 32 : index
    %get3A_498 = tpu.vector_load %arg5[%get3A_496, %get3A_497] {strides = array<i32>} : memref<32x64xi32, #tpu.memory_space<vmem>>, vector<16xi32>,
    %add3A_499 = arith.addi %add3A_494, %get3A_498 : vector<16xi32>
    %get3A_500 = arith.constant 28 : i32
    %get3A_501 = arith.index_cast %get3A_500 : i32 to index
    %get3A_502 = arith.constant 32 : index
    %get3A_503 = tpu.vector_load %arg5[%get3A_501, %get3A_502] {strides = array<i32>} : memref<32x64xi32, #tpu.memory_space<vmem>>, vector<16xi32>,
    %add3A_504 = arith.addi %add3A_499, %get3A_503 : vector<16xi32>
    %get3A_505 = arith.constant 29 : i32
    %get3A_506 = arith.index_cast %get3A_505 : i32 to index
    %get3A_507 = arith.constant 32 : index
    %get3A_508 = tpu.vector_load %arg5[%get3A_506, %get3A_507] {strides = array<i32>} : memref<32x64xi32, #tpu.memory_space<vmem>>, vector<16xi32>,
    %add3A_509 = arith.addi %add3A_504, %get3A_508 : vector<16xi32>
    %get3A_510 = arith.constant 30 : i32
    %get3A_511 = arith.index_cast %get3A_510 : i32 to index
    %get3A_512 = arith.constant 32 : index
    %get3A_513 = tpu.vector_load %arg5[%get3A_511, %get3A_512] {strides = array<i32>} : memref<32x64xi32, #tpu.memory_space<vmem>>, vector<16xi32>,
    %add3A_514 = arith.addi %add3A_509, %get3A_513 : vector<16xi32>
    %get3A_515 = arith.constant 31 : i32
    %get3A_516 = arith.index_cast %get3A_515 : i32 to index
    %get3A_517 = arith.constant 32 : index
    %get3A_518 = tpu.vector_load %arg5[%get3A_516, %get3A_517] {strides = array<i32>} : memref<32x64xi32, #tpu.memory_space<vmem>>, vector<16xi32>,
    %add3A_519 = arith.addi %add3A_514, %get3A_518 : vector<16xi32>
    %ge3A_520 = arith.constant 3 : i32
    %ge3A_521 = vector.broadcast %ge3A_520 : i32 to vector<16xi32>
    %ge3A_522 = arith.cmpi sge, %add3A_519, %ge3A_521 : vector<16xi32>
    %convert_element_type3A_523 = arith.extui %ge3A_522 : vector<16xi1> to vector<16xi32>
    %add3A_524 = arith.constant 1 : i32
    %add3A_525 = vector.broadcast %add3A_524 : i32 to vector<16xi32>
    %add3A_526 = arith.addi %add3A_525, %convert_element_type3A_523 : vector<16xi32>
    %ge3A_527 = arith.constant 7 : i32
    %ge3A_528 = vector.broadcast %ge3A_527 : i32 to vector<16xi32>
    %ge3A_529 = arith.cmpi sge, %add3A_519, %ge3A_528 : vector<16xi32>
    %convert_element_type3A_530 = arith.extui %ge3A_529 : vector<16xi1> to vector<16xi32>
    %add3A_531 = arith.addi %add3A_526, %convert_element_type3A_530 : vector<16xi32>
    %ge3A_532 = arith.constant 15 : i32
    %ge3A_533 = vector.broadcast %ge3A_532 : i32 to vector<16xi32>
    %ge3A_534 = arith.cmpi sge, %add3A_519, %ge3A_533 : vector<16xi32>
    %convert_element_type3A_535 = arith.extui %ge3A_534 : vector<16xi1> to vector<16xi32>
    %add3A_536 = arith.addi %add3A_531, %convert_element_type3A_535 : vector<16xi32>
    %convert_element_type3A_537 = arith.sitofp %add3A_536 : vector<16xi32> to vector<16xf32>
    %swap3A_538 = arith.constant 32 : index
    %swap3A_539 = tpu.vector_load %arg6[%swap3A_538] {strides = array<i32>} : memref<64xf32, #tpu.memory_space<vmem>>, vector<16xf32>,
    tpu.vector_store %arg6[%swap3A_538], %convert_element_type3A_537 {strides = array<i32>} : memref<64xf32, #tpu.memory_space<vmem>>, vector<16xf32>,
    %get3A_540 = arith.constant 0 : i32
    %get3A_541 = arith.index_cast %get3A_540 : i32 to index
    %get3A_542 = arith.constant 48 : index
    %get3A_543 = tpu.vector_load %arg5[%get3A_541, %get3A_542] {strides = array<i32>} : memref<32x64xi32, #tpu.memory_space<vmem>>, vector<16xi32>,
    %add3A_544 = arith.addi %broadcast_in_dim3A_3, %get3A_543 : vector<16xi32>
    %get3A_545 = arith.constant 1 : i32
    %get3A_546 = arith.index_cast %get3A_545 : i32 to index
    %get3A_547 = arith.constant 48 : index
    %get3A_548 = tpu.vector_load %arg5[%get3A_546, %get3A_547] {strides = array<i32>} : memref<32x64xi32, #tpu.memory_space<vmem>>, vector<16xi32>,
    %add3A_549 = arith.addi %add3A_544, %get3A_548 : vector<16xi32>
    %get3A_550 = arith.constant 2 : i32
    %get3A_551 = arith.index_cast %get3A_550 : i32 to index
    %get3A_552 = arith.constant 48 : index
    %get3A_553 = tpu.vector_load %arg5[%get3A_551, %get3A_552] {strides = array<i32>} : memref<32x64xi32, #tpu.memory_space<vmem>>, vector<16xi32>,
    %add3A_554 = arith.addi %add3A_549, %get3A_553 : vector<16xi32>
    %get3A_555 = arith.constant 3 : i32
    %get3A_556 = arith.index_cast %get3A_555 : i32 to index
    %get3A_557 = arith.constant 48 : index
    %get3A_558 = tpu.vector_load %arg5[%get3A_556, %get3A_557] {strides = array<i32>} : memref<32x64xi32, #tpu.memory_space<vmem>>, vector<16xi32>,
    %add3A_559 = arith.addi %add3A_554, %get3A_558 : vector<16xi32>
    %get3A_560 = arith.constant 4 : i32
    %get3A_561 = arith.index_cast %get3A_560 : i32 to index
    %get3A_562 = arith.constant 48 : index
    %get3A_563 = tpu.vector_load %arg5[%get3A_561, %get3A_562] {strides = array<i32>} : memref<32x64xi32, #tpu.memory_space<vmem>>, vector<16xi32>,
    %add3A_564 = arith.addi %add3A_559, %get3A_563 : vector<16xi32>
    %get3A_565 = arith.constant 5 : i32
    %get3A_566 = arith.index_cast %get3A_565 : i32 to index
    %get3A_567 = arith.constant 48 : index
    %get3A_568 = tpu.vector_load %arg5[%get3A_566, %get3A_567] {strides = array<i32>} : memref<32x64xi32, #tpu.memory_space<vmem>>, vector<16xi32>,
    %add3A_569 = arith.addi %add3A_564, %get3A_568 : vector<16xi32>
    %get3A_570 = arith.constant 6 : i32
    %get3A_571 = arith.index_cast %get3A_570 : i32 to index
    %get3A_572 = arith.constant 48 : index
    %get3A_573 = tpu.vector_load %arg5[%get3A_571, %get3A_572] {strides = array<i32>} : memref<32x64xi32, #tpu.memory_space<vmem>>, vector<16xi32>,
    %add3A_574 = arith.addi %add3A_569, %get3A_573 : vector<16xi32>
    %get3A_575 = arith.constant 7 : i32
    %get3A_576 = arith.index_cast %get3A_575 : i32 to index
    %get3A_577 = arith.constant 48 : index
    %get3A_578 = tpu.vector_load %arg5[%get3A_576, %get3A_577] {strides = array<i32>} : memref<32x64xi32, #tpu.memory_space<vmem>>, vector<16xi32>,
    %add3A_579 = arith.addi %add3A_574, %get3A_578 : vector<16xi32>
    %get3A_580 = arith.constant 8 : i32
    %get3A_581 = arith.index_cast %get3A_580 : i32 to index
    %get3A_582 = arith.constant 48 : index
    %get3A_583 = tpu.vector_load %arg5[%get3A_581, %get3A_582] {strides = array<i32>} : memref<32x64xi32, #tpu.memory_space<vmem>>, vector<16xi32>,
    %add3A_584 = arith.addi %add3A_579, %get3A_583 : vector<16xi32>
    %get3A_585 = arith.constant 9 : i32
    %get3A_586 = arith.index_cast %get3A_585 : i32 to index
    %get3A_587 = arith.constant 48 : index
    %get3A_588 = tpu.vector_load %arg5[%get3A_586, %get3A_587] {strides = array<i32>} : memref<32x64xi32, #tpu.memory_space<vmem>>, vector<16xi32>,
    %add3A_589 = arith.addi %add3A_584, %get3A_588 : vector<16xi32>
    %get3A_590 = arith.constant 10 : i32
    %get3A_591 = arith.index_cast %get3A_590 : i32 to index
    %get3A_592 = arith.constant 48 : index
    %get3A_593 = tpu.vector_load %arg5[%get3A_591, %get3A_592] {strides = array<i32>} : memref<32x64xi32, #tpu.memory_space<vmem>>, vector<16xi32>,
    %add3A_594 = arith.addi %add3A_589, %get3A_593 : vector<16xi32>
    %get3A_595 = arith.constant 11 : i32
    %get3A_596 = arith.index_cast %get3A_595 : i32 to index
    %get3A_597 = arith.constant 48 : index
    %get3A_598 = tpu.vector_load %arg5[%get3A_596, %get3A_597] {strides = array<i32>} : memref<32x64xi32, #tpu.memory_space<vmem>>, vector<16xi32>,
    %add3A_599 = arith.addi %add3A_594, %get3A_598 : vector<16xi32>
    %get3A_600 = arith.constant 12 : i32
    %get3A_601 = arith.index_cast %get3A_600 : i32 to index
    %get3A_602 = arith.constant 48 : index
    %get3A_603 = tpu.vector_load %arg5[%get3A_601, %get3A_602] {strides = array<i32>} : memref<32x64xi32, #tpu.memory_space<vmem>>, vector<16xi32>,
    %add3A_604 = arith.addi %add3A_599, %get3A_603 : vector<16xi32>
    %get3A_605 = arith.constant 13 : i32
    %get3A_606 = arith.index_cast %get3A_605 : i32 to index
    %get3A_607 = arith.constant 48 : index
    %get3A_608 = tpu.vector_load %arg5[%get3A_606, %get3A_607] {strides = array<i32>} : memref<32x64xi32, #tpu.memory_space<vmem>>, vector<16xi32>,
    %add3A_609 = arith.addi %add3A_604, %get3A_608 : vector<16xi32>
    %get3A_610 = arith.constant 14 : i32
    %get3A_611 = arith.index_cast %get3A_610 : i32 to index
    %get3A_612 = arith.constant 48 : index
    %get3A_613 = tpu.vector_load %arg5[%get3A_611, %get3A_612] {strides = array<i32>} : memref<32x64xi32, #tpu.memory_space<vmem>>, vector<16xi32>,
    %add3A_614 = arith.addi %add3A_609, %get3A_613 : vector<16xi32>
    %get3A_615 = arith.constant 15 : i32
    %get3A_616 = arith.index_cast %get3A_615 : i32 to index
    %get3A_617 = arith.constant 48 : index
    %get3A_618 = tpu.vector_load %arg5[%get3A_616, %get3A_617] {strides = array<i32>} : memref<32x64xi32, #tpu.memory_space<vmem>>, vector<16xi32>,
    %add3A_619 = arith.addi %add3A_614, %get3A_618 : vector<16xi32>
    %get3A_620 = arith.constant 16 : i32
    %get3A_621 = arith.index_cast %get3A_620 : i32 to index
    %get3A_622 = arith.constant 48 : index
    %get3A_623 = tpu.vector_load %arg5[%get3A_621, %get3A_622] {strides = array<i32>} : memref<32x64xi32, #tpu.memory_space<vmem>>, vector<16xi32>,
    %add3A_624 = arith.addi %add3A_619, %get3A_623 : vector<16xi32>
    %get3A_625 = arith.constant 17 : i32
    %get3A_626 = arith.index_cast %get3A_625 : i32 to index
    %get3A_627 = arith.constant 48 : index
    %get3A_628 = tpu.vector_load %arg5[%get3A_626, %get3A_627] {strides = array<i32>} : memref<32x64xi32, #tpu.memory_space<vmem>>, vector<16xi32>,
    %add3A_629 = arith.addi %add3A_624, %get3A_628 : vector<16xi32>
    %get3A_630 = arith.constant 18 : i32
    %get3A_631 = arith.index_cast %get3A_630 : i32 to index
    %get3A_632 = arith.constant 48 : index
    %get3A_633 = tpu.vector_load %arg5[%get3A_631, %get3A_632] {strides = array<i32>} : memref<32x64xi32, #tpu.memory_space<vmem>>, vector<16xi32>,
    %add3A_634 = arith.addi %add3A_629, %get3A_633 : vector<16xi32>
    %get3A_635 = arith.constant 19 : i32
    %get3A_636 = arith.index_cast %get3A_635 : i32 to index
    %get3A_637 = arith.constant 48 : index
    %get3A_638 = tpu.vector_load %arg5[%get3A_636, %get3A_637] {strides = array<i32>} : memref<32x64xi32, #tpu.memory_space<vmem>>, vector<16xi32>,
    %add3A_639 = arith.addi %add3A_634, %get3A_638 : vector<16xi32>
    %get3A_640 = arith.constant 20 : i32
    %get3A_641 = arith.index_cast %get3A_640 : i32 to index
    %get3A_642 = arith.constant 48 : index
    %get3A_643 = tpu.vector_load %arg5[%get3A_641, %get3A_642] {strides = array<i32>} : memref<32x64xi32, #tpu.memory_space<vmem>>, vector<16xi32>,
    %add3A_644 = arith.addi %add3A_639, %get3A_643 : vector<16xi32>
    %get3A_645 = arith.constant 21 : i32
    %get3A_646 = arith.index_cast %get3A_645 : i32 to index
    %get3A_647 = arith.constant 48 : index
    %get3A_648 = tpu.vector_load %arg5[%get3A_646, %get3A_647] {strides = array<i32>} : memref<32x64xi32, #tpu.memory_space<vmem>>, vector<16xi32>,
    %add3A_649 = arith.addi %add3A_644, %get3A_648 : vector<16xi32>
    %get3A_650 = arith.constant 22 : i32
    %get3A_651 = arith.index_cast %get3A_650 : i32 to index
    %get3A_652 = arith.constant 48 : index
    %get3A_653 = tpu.vector_load %arg5[%get3A_651, %get3A_652] {strides = array<i32>} : memref<32x64xi32, #tpu.memory_space<vmem>>, vector<16xi32>,
    %add3A_654 = arith.addi %add3A_649, %get3A_653 : vector<16xi32>
    %get3A_655 = arith.constant 23 : i32
    %get3A_656 = arith.index_cast %get3A_655 : i32 to index
    %get3A_657 = arith.constant 48 : index
    %get3A_658 = tpu.vector_load %arg5[%get3A_656, %get3A_657] {strides = array<i32>} : memref<32x64xi32, #tpu.memory_space<vmem>>, vector<16xi32>,
    %add3A_659 = arith.addi %add3A_654, %get3A_658 : vector<16xi32>
    %get3A_660 = arith.constant 24 : i32
    %get3A_661 = arith.index_cast %get3A_660 : i32 to index
    %get3A_662 = arith.constant 48 : index
    %get3A_663 = tpu.vector_load %arg5[%get3A_661, %get3A_662] {strides = array<i32>} : memref<32x64xi32, #tpu.memory_space<vmem>>, vector<16xi32>,
    %add3A_664 = arith.addi %add3A_659, %get3A_663 : vector<16xi32>
    %get3A_665 = arith.constant 25 : i32
    %get3A_666 = arith.index_cast %get3A_665 : i32 to index
    %get3A_667 = arith.constant 48 : index
    %get3A_668 = tpu.vector_load %arg5[%get3A_666, %get3A_667] {strides = array<i32>} : memref<32x64xi32, #tpu.memory_space<vmem>>, vector<16xi32>,
    %add3A_669 = arith.addi %add3A_664, %get3A_668 : vector<16xi32>
    %get3A_670 = arith.constant 26 : i32
    %get3A_671 = arith.index_cast %get3A_670 : i32 to index
    %get3A_672 = arith.constant 48 : index
    %get3A_673 = tpu.vector_load %arg5[%get3A_671, %get3A_672] {strides = array<i32>} : memref<32x64xi32, #tpu.memory_space<vmem>>, vector<16xi32>,
    %add3A_674 = arith.addi %add3A_669, %get3A_673 : vector<16xi32>
    %get3A_675 = arith.constant 27 : i32
    %get3A_676 = arith.index_cast %get3A_675 : i32 to index
    %get3A_677 = arith.constant 48 : index
    %get3A_678 = tpu.vector_load %arg5[%get3A_676, %get3A_677] {strides = array<i32>} : memref<32x64xi32, #tpu.memory_space<vmem>>, vector<16xi32>,
    %add3A_679 = arith.addi %add3A_674, %get3A_678 : vector<16xi32>
    %get3A_680 = arith.constant 28 : i32
    %get3A_681 = arith.index_cast %get3A_680 : i32 to index
    %get3A_682 = arith.constant 48 : index
    %get3A_683 = tpu.vector_load %arg5[%get3A_681, %get3A_682] {strides = array<i32>} : memref<32x64xi32, #tpu.memory_space<vmem>>, vector<16xi32>,
    %add3A_684 = arith.addi %add3A_679, %get3A_683 : vector<16xi32>
    %get3A_685 = arith.constant 29 : i32
    %get3A_686 = arith.index_cast %get3A_685 : i32 to index
    %get3A_687 = arith.constant 48 : index
    %get3A_688 = tpu.vector_load %arg5[%get3A_686, %get3A_687] {strides = array<i32>} : memref<32x64xi32, #tpu.memory_space<vmem>>, vector<16xi32>,
    %add3A_689 = arith.addi %add3A_684, %get3A_688 : vector<16xi32>
    %get3A_690 = arith.constant 30 : i32
    %get3A_691 = arith.index_cast %get3A_690 : i32 to index
    %get3A_692 = arith.constant 48 : index
    %get3A_693 = tpu.vector_load %arg5[%get3A_691, %get3A_692] {strides = array<i32>} : memref<32x64xi32, #tpu.memory_space<vmem>>, vector<16xi32>,
    %add3A_694 = arith.addi %add3A_689, %get3A_693 : vector<16xi32>
    %get3A_695 = arith.constant 31 : i32
    %get3A_696 = arith.index_cast %get3A_695 : i32 to index
    %get3A_697 = arith.constant 48 : index
    %get3A_698 = tpu.vector_load %arg5[%get3A_696, %get3A_697] {strides = array<i32>} : memref<32x64xi32, #tpu.memory_space<vmem>>, vector<16xi32>,
    %add3A_699 = arith.addi %add3A_694, %get3A_698 : vector<16xi32>
    %ge3A_700 = arith.constant 3 : i32
    %ge3A_701 = vector.broadcast %ge3A_700 : i32 to vector<16xi32>
    %ge3A_702 = arith.cmpi sge, %add3A_699, %ge3A_701 : vector<16xi32>
    %convert_element_type3A_703 = arith.extui %ge3A_702 : vector<16xi1> to vector<16xi32>
    %add3A_704 = arith.constant 1 : i32
    %add3A_705 = vector.broadcast %add3A_704 : i32 to vector<16xi32>
    %add3A_706 = arith.addi %add3A_705, %convert_element_type3A_703 : vector<16xi32>
    %ge3A_707 = arith.constant 7 : i32
    %ge3A_708 = vector.broadcast %ge3A_707 : i32 to vector<16xi32>
    %ge3A_709 = arith.cmpi sge, %add3A_699, %ge3A_708 : vector<16xi32>
    %convert_element_type3A_710 = arith.extui %ge3A_709 : vector<16xi1> to vector<16xi32>
    %add3A_711 = arith.addi %add3A_706, %convert_element_type3A_710 : vector<16xi32>
    %ge3A_712 = arith.constant 15 : i32
    %ge3A_713 = vector.broadcast %ge3A_712 : i32 to vector<16xi32>
    %ge3A_714 = arith.cmpi sge, %add3A_699, %ge3A_713 : vector<16xi32>
    %convert_element_type3A_715 = arith.extui %ge3A_714 : vector<16xi1> to vector<16xi32>
    %add3A_716 = arith.addi %add3A_711, %convert_element_type3A_715 : vector<16xi32>
    %convert_element_type3A_717 = arith.sitofp %add3A_716 : vector<16xi32> to vector<16xf32>
    %swap3A_718 = arith.constant 48 : index
    %swap3A_719 = tpu.vector_load %arg6[%swap3A_718] {strides = array<i32>} : memref<64xf32, #tpu.memory_space<vmem>>, vector<16xf32>,
    tpu.vector_store %arg6[%swap3A_718], %convert_element_type3A_717 {strides = array<i32>} : memref<64xf32, #tpu.memory_space<vmem>>, vector<16xf32>,
    %scan3A = arith.constant 0 : i32
    %scan3A_720 = arith.constant 0 : i32
    %scan3A_721 = arith.constant 512 : i32
    %scan3A_722 = arith.addi %scan3A_720, %scan3A_721 : i32
    %scan3A_723 = arith.constant 1 : i32
    scf.for %scan3A_727 = %scan3A_720 to %scan3A_722 step %scan3A_723  : i32 {
      %mul3A_728 = arith.constant 16 : i32
      %mul3A_729 = arith.muli %scan3A_727, %mul3A_728 : i32
      %get3A_730 = arith.index_cast %mul3A_729 : i32 to index
      %get3A_731 = tpu.vector_load %arg7[%get3A_730] {strides = array<i32>} : memref<8192xi32, #tpu.memory_space<vmem>>, vector<16xi32>,
      %gather3A = tpu.vector_load_idx %arg6[%get3A_731] : memref<64xf32, #tpu.memory_space<vmem>>[vector<16xi32>], vector<16xf32>,
      %mul3A_732 = arith.constant 16 : i32
      %mul3A_733 = arith.muli %scan3A_727, %mul3A_732 : i32
      %swap3A_734 = arith.index_cast %mul3A_733 : i32 to index
      %swap3A_735 = tpu.vector_load %arg8[%swap3A_734] {strides = array<i32>} : memref<8192xf32, #tpu.memory_space<vmem>>, vector<16xf32>,
      tpu.vector_store %arg8[%swap3A_734], %gather3A {strides = array<i32>} : memref<8192xf32, #tpu.memory_space<vmem>>, vector<16xf32>,
    }
    %scan3A_724 = arith.constant 512 : i32
    %mul3A_725 = arith.constant 8192 : i32
    %mul3A_726 = arith.muli %add3A, %mul3A_725 : i32
    "tpu.region"() ({
      %run_scoped3A = tpu.sem_alloc : memref<!tpu.dma_semaphore, #tpu.memory_space<semaphore_mem>>
      %dma_start3A = tpu.memref_slice %arg4[%mul3A_726] : memref<262144xf32, #tpu.memory_space<hbm>> -> memref<8192xf32, #tpu.memory_space<hbm>>
      %dma_start3A_727 = tpu.memref_slice %arg4[%mul3A_726] : memref<262144xf32, #tpu.memory_space<hbm>> -> memref<8192xf32, #tpu.memory_space<hbm>>
      tpu.enqueue_dma source(%arg8 : memref<8192xf32, #tpu.memory_space<vmem>>) target(%dma_start3A_727 : memref<8192xf32, #tpu.memory_space<hbm>>) target_semaphore(%run_scoped3A : memref<!tpu.dma_semaphore, #tpu.memory_space<semaphore_mem>>)
      %dma_wait3A = tpu.memref_slice %arg4[%mul3A_726] : memref<262144xf32, #tpu.memory_space<hbm>> -> memref<8192xf32, #tpu.memory_space<hbm>>
      %dma_wait3A_728 = tpu.memref_slice %arg4[%mul3A_726] : memref<262144xf32, #tpu.memory_space<hbm>> -> memref<8192xf32, #tpu.memory_space<hbm>>
      tpu.wait_dma2 semaphore(%run_scoped3A : memref<!tpu.dma_semaphore, #tpu.memory_space<semaphore_mem>>) src(%arg8 : memref<8192xf32, #tpu.memory_space<vmem>>) dst(%dma_wait3A_728 : memref<8192xf32, #tpu.memory_space<hbm>>)
      tpu.yield
    }) : () -> ()
    return
  }
}

#map = affine_map<(d0, d1) -> (0)>
#map1 = affine_map<(d0, d1) -> (0, 0)>
module attributes {stable_mosaic.version = 14 : i64} {
  func.func @_sc_hist(%arg0: i32, %arg1: i32, %arg2: memref<262144xi32, #tpu.memory_space<hbm>>, %arg3: memref<32x64xi32, #tpu.memory_space<hbm>>, %arg4: memref<8192xi32, #tpu.memory_space<vmem>>, %arg5: memref<64xi32, #tpu.memory_space<vmem>>) attributes {dimension_semantics = [#tpu.dimension_semantics<core_parallel>, #tpu.dimension_semantics<subcore_parallel>], iteration_bounds = array<i64: 2, 16>, scalar_prefetch = 0 : i64, scratch_operands = 2 : i64, tpu.core_type = #tpu.core_type<sc_vector_subcore>, window_params = [{transform_indices = #map}, {transform_indices = #map1}]} {
    %mul3A = arith.constant 2 : i32
    %mul3A_0 = arith.muli %arg1, %mul3A : i32
    %add3A = arith.addi %mul3A_0, %arg0 : i32
    %mul3A_1 = arith.constant 8192 : i32
    %mul3A_2 = arith.muli %add3A, %mul3A_1 : i32
    "tpu.region"() ({
      %run_scoped3A = tpu.sem_alloc : memref<!tpu.dma_semaphore, #tpu.memory_space<semaphore_mem>>
      %dma_start3A = tpu.memref_slice %arg2[%mul3A_2] : memref<262144xi32, #tpu.memory_space<hbm>> -> memref<8192xi32, #tpu.memory_space<hbm>>
      %dma_start3A_18 = tpu.memref_slice %arg2[%mul3A_2] : memref<262144xi32, #tpu.memory_space<hbm>> -> memref<8192xi32, #tpu.memory_space<hbm>>
      tpu.enqueue_dma source(%dma_start3A_18 : memref<8192xi32, #tpu.memory_space<hbm>>) target(%arg4 : memref<8192xi32, #tpu.memory_space<vmem>>) target_semaphore(%run_scoped3A : memref<!tpu.dma_semaphore, #tpu.memory_space<semaphore_mem>>)
      %dma_wait3A = tpu.memref_slice %arg2[%mul3A_2] : memref<262144xi32, #tpu.memory_space<hbm>> -> memref<8192xi32, #tpu.memory_space<hbm>>
      %dma_wait3A_19 = tpu.memref_slice %arg2[%mul3A_2] : memref<262144xi32, #tpu.memory_space<hbm>> -> memref<8192xi32, #tpu.memory_space<hbm>>
      tpu.wait_dma2 semaphore(%run_scoped3A : memref<!tpu.dma_semaphore, #tpu.memory_space<semaphore_mem>>) src(%dma_wait3A_19 : memref<8192xi32, #tpu.memory_space<hbm>>) dst(%arg4 : memref<8192xi32, #tpu.memory_space<vmem>>)
      tpu.yield
    }) : () -> ()
    %broadcast_in_dim3A = arith.constant 0 : i32
    %broadcast_in_dim3A_3 = vector.broadcast %broadcast_in_dim3A : i32 to vector<16xi32>
    %swap3A = arith.constant 0 : index
    %swap3A_4 = tpu.vector_load %arg5[%swap3A] {strides = array<i32>} : memref<64xi32, #tpu.memory_space<vmem>>, vector<16xi32>,
    tpu.vector_store %arg5[%swap3A], %broadcast_in_dim3A_3 {strides = array<i32>} : memref<64xi32, #tpu.memory_space<vmem>>, vector<16xi32>,
    %swap3A_5 = arith.constant 16 : index
    %swap3A_6 = tpu.vector_load %arg5[%swap3A_5] {strides = array<i32>} : memref<64xi32, #tpu.memory_space<vmem>>, vector<16xi32>,
    tpu.vector_store %arg5[%swap3A_5], %broadcast_in_dim3A_3 {strides = array<i32>} : memref<64xi32, #tpu.memory_space<vmem>>, vector<16xi32>,
    %swap3A_7 = arith.constant 32 : index
    %swap3A_8 = tpu.vector_load %arg5[%swap3A_7] {strides = array<i32>} : memref<64xi32, #tpu.memory_space<vmem>>, vector<16xi32>,
    tpu.vector_store %arg5[%swap3A_7], %broadcast_in_dim3A_3 {strides = array<i32>} : memref<64xi32, #tpu.memory_space<vmem>>, vector<16xi32>,
    %swap3A_9 = arith.constant 48 : index
    %swap3A_10 = tpu.vector_load %arg5[%swap3A_9] {strides = array<i32>} : memref<64xi32, #tpu.memory_space<vmem>>, vector<16xi32>,
    tpu.vector_store %arg5[%swap3A_9], %broadcast_in_dim3A_3 {strides = array<i32>} : memref<64xi32, #tpu.memory_space<vmem>>, vector<16xi32>,
    %broadcast_in_dim3A_11 = arith.constant 1 : i32
    %broadcast_in_dim3A_12 = vector.broadcast %broadcast_in_dim3A_11 : i32 to vector<16xi32>
    %scan3A = arith.constant 0 : i32
    %scan3A_13 = arith.constant 0 : i32
    %scan3A_14 = arith.constant 512 : i32
    %scan3A_15 = arith.addi %scan3A_13, %scan3A_14 : i32
    %scan3A_16 = arith.constant 1 : i32
    scf.for %scan3A_18 = %scan3A_13 to %scan3A_15 step %scan3A_16  : i32 {
      %mul3A_19 = arith.constant 16 : i32
      %mul3A_20 = arith.muli %scan3A_18, %mul3A_19 : i32
      %get3A = arith.index_cast %mul3A_20 : i32 to index
      %get3A_21 = tpu.vector_load %arg4[%get3A] {strides = array<i32>} : memref<8192xi32, #tpu.memory_space<vmem>>, vector<16xi32>,
      tpu.vector_store_idx %arg5[%get3A_21], %broadcast_in_dim3A_12 {add = true} : memref<64xi32, #tpu.memory_space<vmem>>[vector<16xi32>], vector<16xi32>,
    }
    %scan3A_17 = arith.constant 512 : i32
    "tpu.region"() ({
      %run_scoped3A = tpu.sem_alloc : memref<!tpu.dma_semaphore, #tpu.memory_space<semaphore_mem>>
      %dma_start3A = arith.constant 0 : i32
      %dma_start3A_18 = tpu.memref_slice %arg3[%add3A, %dma_start3A] : memref<32x64xi32, #tpu.memory_space<hbm>> -> memref<1x64xi32, #tpu.memory_space<hbm>>
      %dma_start3A_19 = tpu.memref_squeeze %dma_start3A_18 : memref<1x64xi32, #tpu.memory_space<hbm>> -> memref<64xi32, #tpu.memory_space<hbm>>
      %dma_start3A_20 = arith.constant 0 : i32
      %dma_start3A_21 = tpu.memref_slice %arg3[%add3A, %dma_start3A_20] : memref<32x64xi32, #tpu.memory_space<hbm>> -> memref<1x64xi32, #tpu.memory_space<hbm>>
      %dma_start3A_22 = tpu.memref_squeeze %dma_start3A_21 : memref<1x64xi32, #tpu.memory_space<hbm>> -> memref<64xi32, #tpu.memory_space<hbm>>
      tpu.enqueue_dma source(%arg5 : memref<64xi32, #tpu.memory_space<vmem>>) target(%dma_start3A_22 : memref<64xi32, #tpu.memory_space<hbm>>) target_semaphore(%run_scoped3A : memref<!tpu.dma_semaphore, #tpu.memory_space<semaphore_mem>>)
      %dma_wait3A = arith.constant 0 : i32
      %dma_wait3A_23 = tpu.memref_slice %arg3[%add3A, %dma_wait3A] : memref<32x64xi32, #tpu.memory_space<hbm>> -> memref<1x64xi32, #tpu.memory_space<hbm>>
      %dma_wait3A_24 = tpu.memref_squeeze %dma_wait3A_23 : memref<1x64xi32, #tpu.memory_space<hbm>> -> memref<64xi32, #tpu.memory_space<hbm>>
      %dma_wait3A_25 = arith.constant 0 : i32
      %dma_wait3A_26 = tpu.memref_slice %arg3[%add3A, %dma_wait3A_25] : memref<32x64xi32, #tpu.memory_space<hbm>> -> memref<1x64xi32, #tpu.memory_space<hbm>>
      %dma_wait3A_27 = tpu.memref_squeeze %dma_wait3A_26 : memref<1x64xi32, #tpu.memory_space<hbm>> -> memref<64xi32, #tpu.memory_space<hbm>>
      tpu.wait_dma2 semaphore(%run_scoped3A : memref<!tpu.dma_semaphore, #tpu.memory_space<semaphore_mem>>) src(%arg5 : memref<64xi32, #tpu.memory_space<vmem>>) dst(%dma_wait3A_27 : memref<64xi32, #tpu.memory_space<hbm>>)
      tpu.yield
    }) : () -> ()
    return
  }
}

module attributes {stable_mosaic.version = 14 : i64} {
  func.func @_copy_body(%arg0: i32, %arg1: memref<16384x128xf32, #tpu.memory_space<vmem>>, %arg2: memref<16384x128xf32, #tpu.memory_space<vmem>>) attributes {dimension_semantics = [#tpu.dimension_semantics<arbitrary>], iteration_bounds = array<i64: 16>, scalar_prefetch = 0 : i64, scratch_operands = 0 : i64, tpu.core_type = #tpu.core_type<tc>, window_params = [{transform_indices = @transform_0, window_bounds = array<i64: 16384, 128>}, {transform_indices = @transform_1, window_bounds = array<i64: 16384, 128>}]} {
    %get3A = arith.constant 0 : index
    %get3A_0 = arith.constant 0 : index
    %get3A_1 = vector.load %arg1[%get3A, %get3A_0] : memref<16384x128xf32, #tpu.memory_space<vmem>>, vector<16384x128xf32>
    %swap3A = arith.constant 0 : index
    %swap3A_2 = arith.constant 0 : index
    %swap3A_3 = vector.load %arg2[%swap3A, %swap3A_2] : memref<16384x128xf32, #tpu.memory_space<vmem>>, vector<16384x128xf32>
    tpu.vector_store %arg2[%swap3A, %swap3A_2], %get3A_1 {strides = array<i32>} : memref<16384x128xf32, #tpu.memory_space<vmem>>, vector<16384x128xf32>,
    return
  }
  func.func @transform_0(%arg0: i32) -> (i32, i32) {
    %c0_i32 = arith.constant 0 : i32
    %c0_i32_0 = arith.constant 0 : i32
    return %arg0, %c0_i32 : i32, i32
  }
  func.func @transform_1(%arg0: i32) -> (i32, i32) {
    %c0_i32 = arith.constant 0 : i32
    %c0_i32_0 = arith.constant 0 : i32
    return %arg0, %c0_i32 : i32, i32
  }
}

module attributes {stable_mosaic.version = 14 : i64} {
  func.func @_exp_body(%arg0: i32, %arg1: memref<9x32768xbf16, #tpu.memory_space<vmem>>, %arg2: memref<27x4x32768xi32, #tpu.memory_space<vmem>>) attributes {dimension_semantics = [#tpu.dimension_semantics<arbitrary>], iteration_bounds = array<i64: 8>, scalar_prefetch = 0 : i64, scratch_operands = 0 : i64, tpu.core_type = #tpu.core_type<tc>, window_params = [{transform_indices = @transform_0, window_bounds = array<i64: 9, 32768>}, {transform_indices = @transform_1, window_bounds = array<i64: 27, 4, 32768>}]} {
    %iota3A = tpu.iota {dimensions = array<i32: 0>} : vector<108x9xi32>
    %iota3A_0 = tpu.iota {dimensions = array<i32: 1>} : vector<108x9xi32>
    %and3A = arith.constant 3 : i32
    %and3A_1 = vector.broadcast %and3A : i32 to vector<108x9xi32>
    %and3A_2 = arith.andi %iota3A, %and3A_1 : vector<108x9xi32>
    %shift_right_arithmetic3A = arith.constant 2 : i32
    %shift_right_arithmetic3A_3 = vector.broadcast %shift_right_arithmetic3A : i32 to vector<108x9xi32>
    %shift_right_arithmetic3A_4 = arith.shrsi %iota3A, %shift_right_arithmetic3A_3 : vector<108x9xi32>
    %jit3A = arith.constant 9 : i32
    %div3A = vector.broadcast %jit3A : i32 to vector<108x9xi32>
    %div3A_5 = arith.divsi %shift_right_arithmetic3A_4, %div3A : vector<108x9xi32>
    %sign3A = arith.constant 0 : i32
    %sign3A_6 = vector.broadcast %sign3A : i32 to vector<108x9xi32>
    %sign3A_7 = arith.cmpi sgt, %shift_right_arithmetic3A_4, %sign3A_6 : vector<108x9xi32>
    %sign3A_8 = arith.extui %sign3A_7 : vector<108x9xi1> to vector<108x9xi32>
    %sign3A_9 = arith.constant 0 : i32
    %sign3A_10 = vector.broadcast %sign3A_9 : i32 to vector<108x9xi32>
    %sign3A_11 = arith.cmpi slt, %shift_right_arithmetic3A_4, %sign3A_10 : vector<108x9xi32>
    %sign3A_12 = arith.extui %sign3A_11 : vector<108x9xi1> to vector<108x9xi32>
    %sign3A_13 = arith.subi %sign3A_8, %sign3A_12 : vector<108x9xi32>
    %sign3A_14 = arith.constant 0 : i32
    %sign3A_15 = arith.cmpi sgt, %jit3A, %sign3A_14 : i32
    %sign3A_16 = arith.extui %sign3A_15 : i1 to i32
    %sign3A_17 = arith.constant 0 : i32
    %sign3A_18 = arith.cmpi slt, %jit3A, %sign3A_17 : i32
    %sign3A_19 = arith.extui %sign3A_18 : i1 to i32
    %sign3A_20 = arith.subi %sign3A_16, %sign3A_19 : i32
    %ne3A = vector.broadcast %sign3A_20 : i32 to vector<108x9xi32>
    %ne3A_21 = arith.cmpi ne, %sign3A_13, %ne3A : vector<108x9xi32>
    %rem3A = vector.broadcast %jit3A : i32 to vector<108x9xi32>
    %rem3A_22 = arith.remsi %shift_right_arithmetic3A_4, %rem3A : vector<108x9xi32>
    %ne3A_23 = arith.constant 0 : i32
    %ne3A_24 = vector.broadcast %ne3A_23 : i32 to vector<108x9xi32>
    %ne3A_25 = arith.cmpi ne, %rem3A_22, %ne3A_24 : vector<108x9xi32>
    %and3A_26 = arith.andi %ne3A_21, %ne3A_25 : vector<108x9xi1>
    %sub3A = arith.constant 1 : i32
    %sub3A_27 = vector.broadcast %sub3A : i32 to vector<108x9xi32>
    %sub3A_28 = arith.subi %div3A_5, %sub3A_27 : vector<108x9xi32>
    %select_n3A = arith.select %and3A_26, %sub3A_28, %div3A_5 : vector<108x9xi1>, vector<108x9xi32>
    %sub3A_29 = arith.constant 1 : i32
    %sub3A_30 = vector.broadcast %sub3A_29 : i32 to vector<108x9xi32>
    %sub3A_31 = arith.subi %select_n3A, %sub3A_30 : vector<108x9xi32>
    %jit3A_32 = arith.constant 3 : i32
    %div3A_33 = vector.broadcast %jit3A_32 : i32 to vector<108x9xi32>
    %div3A_34 = arith.divsi %shift_right_arithmetic3A_4, %div3A_33 : vector<108x9xi32>
    %sign3A_35 = arith.constant 0 : i32
    %sign3A_36 = vector.broadcast %sign3A_35 : i32 to vector<108x9xi32>
    %sign3A_37 = arith.cmpi sgt, %shift_right_arithmetic3A_4, %sign3A_36 : vector<108x9xi32>
    %sign3A_38 = arith.extui %sign3A_37 : vector<108x9xi1> to vector<108x9xi32>
    %sign3A_39 = arith.constant 0 : i32
    %sign3A_40 = vector.broadcast %sign3A_39 : i32 to vector<108x9xi32>
    %sign3A_41 = arith.cmpi slt, %shift_right_arithmetic3A_4, %sign3A_40 : vector<108x9xi32>
    %sign3A_42 = arith.extui %sign3A_41 : vector<108x9xi1> to vector<108x9xi32>
    %sign3A_43 = arith.subi %sign3A_38, %sign3A_42 : vector<108x9xi32>
    %sign3A_44 = arith.constant 0 : i32
    %sign3A_45 = arith.cmpi sgt, %jit3A_32, %sign3A_44 : i32
    %sign3A_46 = arith.extui %sign3A_45 : i1 to i32
    %sign3A_47 = arith.constant 0 : i32
    %sign3A_48 = arith.cmpi slt, %jit3A_32, %sign3A_47 : i32
    %sign3A_49 = arith.extui %sign3A_48 : i1 to i32
    %sign3A_50 = arith.subi %sign3A_46, %sign3A_49 : i32
    %ne3A_51 = vector.broadcast %sign3A_50 : i32 to vector<108x9xi32>
    %ne3A_52 = arith.cmpi ne, %sign3A_43, %ne3A_51 : vector<108x9xi32>
    %rem3A_53 = vector.broadcast %jit3A_32 : i32 to vector<108x9xi32>
    %rem3A_54 = arith.remsi %shift_right_arithmetic3A_4, %rem3A_53 : vector<108x9xi32>
    %ne3A_55 = arith.constant 0 : i32
    %ne3A_56 = vector.broadcast %ne3A_55 : i32 to vector<108x9xi32>
    %ne3A_57 = arith.cmpi ne, %rem3A_54, %ne3A_56 : vector<108x9xi32>
    %and3A_58 = arith.andi %ne3A_52, %ne3A_57 : vector<108x9xi1>
    %sub3A_59 = arith.constant 1 : i32
    %sub3A_60 = vector.broadcast %sub3A_59 : i32 to vector<108x9xi32>
    %sub3A_61 = arith.subi %div3A_34, %sub3A_60 : vector<108x9xi32>
    %select_n3A_62 = arith.select %and3A_58, %sub3A_61, %div3A_34 : vector<108x9xi1>, vector<108x9xi32>
    %jit3A_63 = arith.constant 3 : i32
    %eq3A = arith.constant 0 : i32
    %eq3A_64 = arith.cmpi eq, %jit3A_63, %eq3A : i32
    %jit3A_65 = arith.constant 1 : i32
    %select_n3A_66 = arith.select %eq3A_64, %jit3A_65, %jit3A_63 : i32
    %rem3A_67 = vector.broadcast %select_n3A_66 : i32 to vector<108x9xi32>
    %rem3A_68 = arith.remsi %select_n3A_62, %rem3A_67 : vector<108x9xi32>
    %ne3A_69 = arith.constant 0 : i32
    %ne3A_70 = vector.broadcast %ne3A_69 : i32 to vector<108x9xi32>
    %ne3A_71 = arith.cmpi ne, %rem3A_68, %ne3A_70 : vector<108x9xi32>
    %lt3A = arith.constant 0 : i32
    %lt3A_72 = vector.broadcast %lt3A : i32 to vector<108x9xi32>
    %lt3A_73 = arith.cmpi slt, %rem3A_68, %lt3A_72 : vector<108x9xi32>
    %lt3A_74 = arith.constant 0 : i32
    %lt3A_75 = arith.cmpi slt, %select_n3A_66, %lt3A_74 : i32
    %ne3A_76 = vector.broadcast %lt3A_75 : i1 to vector<108x9xi1>
    %ne3A_77 = vector.broadcast %ne3A_76 : vector<108x9xi1> to vector<108x9xi1>
    %ne3A_78 = arith.xori %lt3A_73, %ne3A_77 : vector<108x9xi1>
    %and3A_79 = arith.andi %ne3A_78, %ne3A_71 : vector<108x9xi1>
    %add3A = vector.broadcast %select_n3A_66 : i32 to vector<108x9xi32>
    %add3A_80 = arith.addi %rem3A_68, %add3A : vector<108x9xi32>
    %select_n3A_81 = arith.select %and3A_79, %add3A_80, %rem3A_68 : vector<108x9xi1>, vector<108x9xi32>
    %sub3A_82 = arith.constant 1 : i32
    %sub3A_83 = vector.broadcast %sub3A_82 : i32 to vector<108x9xi32>
    %sub3A_84 = arith.subi %select_n3A_81, %sub3A_83 : vector<108x9xi32>
    %jit3A_85 = arith.constant 3 : i32
    %eq3A_86 = arith.constant 0 : i32
    %eq3A_87 = arith.cmpi eq, %jit3A_85, %eq3A_86 : i32
    %jit3A_88 = arith.constant 1 : i32
    %select_n3A_89 = arith.select %eq3A_87, %jit3A_88, %jit3A_85 : i32
    %rem3A_90 = vector.broadcast %select_n3A_89 : i32 to vector<108x9xi32>
    %rem3A_91 = arith.remsi %shift_right_arithmetic3A_4, %rem3A_90 : vector<108x9xi32>
    %ne3A_92 = arith.constant 0 : i32
    %ne3A_93 = vector.broadcast %ne3A_92 : i32 to vector<108x9xi32>
    %ne3A_94 = arith.cmpi ne, %rem3A_91, %ne3A_93 : vector<108x9xi32>
    %lt3A_95 = arith.constant 0 : i32
    %lt3A_96 = vector.broadcast %lt3A_95 : i32 to vector<108x9xi32>
    %lt3A_97 = arith.cmpi slt, %rem3A_91, %lt3A_96 : vector<108x9xi32>
    %lt3A_98 = arith.constant 0 : i32
    %lt3A_99 = arith.cmpi slt, %select_n3A_89, %lt3A_98 : i32
    %ne3A_100 = vector.broadcast %lt3A_99 : i1 to vector<108x9xi1>
    %ne3A_101 = vector.broadcast %ne3A_100 : vector<108x9xi1> to vector<108x9xi1>
    %ne3A_102 = arith.xori %lt3A_97, %ne3A_101 : vector<108x9xi1>
    %and3A_103 = arith.andi %ne3A_102, %ne3A_94 : vector<108x9xi1>
    %add3A_104 = vector.broadcast %select_n3A_89 : i32 to vector<108x9xi32>
    %add3A_105 = arith.addi %rem3A_91, %add3A_104 : vector<108x9xi32>
    %select_n3A_106 = arith.select %and3A_103, %add3A_105, %rem3A_91 : vector<108x9xi1>, vector<108x9xi32>
    %sub3A_107 = arith.constant 1 : i32
    %sub3A_108 = vector.broadcast %sub3A_107 : i32 to vector<108x9xi32>
    %sub3A_109 = arith.subi %select_n3A_106, %sub3A_108 : vector<108x9xi32>
    %eq3A_110 = arith.constant 0 : i32
    %eq3A_111 = vector.broadcast %eq3A_110 : i32 to vector<108x9xi32>
    %eq3A_112 = arith.cmpi eq, %and3A_2, %eq3A_111 : vector<108x9xi32>
    %eq3A_113 = arith.constant 1 : i32
    %eq3A_114 = vector.broadcast %eq3A_113 : i32 to vector<108x9xi32>
    %eq3A_115 = arith.cmpi eq, %and3A_2, %eq3A_114 : vector<108x9xi32>
    %eq3A_116 = arith.constant 2 : i32
    %eq3A_117 = vector.broadcast %eq3A_116 : i32 to vector<108x9xi32>
    %eq3A_118 = arith.cmpi eq, %and3A_2, %eq3A_117 : vector<108x9xi32>
    %select_n3A_119 = arith.select %eq3A_118, %sub3A_84, %sub3A_109 : vector<108x9xi1>, vector<108x9xi32>
    %select_n3A_120 = arith.select %eq3A_115, %sub3A_31, %select_n3A_119 : vector<108x9xi1>, vector<108x9xi32>
    %jit3A_121 = arith.constant 0 : i32
    %broadcast_in_dim3A = vector.broadcast %jit3A_121 : i32 to vector<108x9xi32>
    %select_n3A_122 = arith.select %eq3A_112, %broadcast_in_dim3A, %select_n3A_120 : vector<108x9xi1>, vector<108x9xi32>
    %and3A_123 = arith.constant 3 : i32
    %and3A_124 = vector.broadcast %and3A_123 : i32 to vector<108x9xi32>
    %and3A_125 = arith.andi %iota3A_0, %and3A_124 : vector<108x9xi32>
    %eq3A_126 = arith.cmpi eq, %and3A_2, %and3A_125 : vector<108x9xi32>
    %jit3A_127 = arith.constant 8 : i32
    %jit3A_128 = arith.constant 0 : i32
    %broadcast_in_dim3A_129 = vector.broadcast %jit3A_127 : i32 to vector<108x9xi32>
    %broadcast_in_dim3A_130 = vector.broadcast %jit3A_128 : i32 to vector<108x9xi32>
    %select_n3A_131 = arith.select %eq3A_126, %broadcast_in_dim3A_129, %broadcast_in_dim3A_130 : vector<108x9xi1>, vector<108x9xi32>
    %and3A_132 = arith.constant 3 : i32
    %and3A_133 = vector.broadcast %and3A_132 : i32 to vector<108x9xi32>
    %and3A_134 = arith.andi %iota3A_0, %and3A_133 : vector<108x9xi32>
    %eq3A_135 = arith.cmpi eq, %and3A_2, %and3A_134 : vector<108x9xi32>
    %convert_element_type3A = arith.extui %eq3A_135 : vector<108x9xi1> to vector<108x9xi32>
    %lt3A_136 = arith.constant 4 : i32
    %lt3A_137 = vector.broadcast %lt3A_136 : i32 to vector<108x9xi32>
    %lt3A_138 = arith.cmpi slt, %iota3A_0, %lt3A_137 : vector<108x9xi32>
    %lt3A_139 = arith.constant 8 : i32
    %lt3A_140 = vector.broadcast %lt3A_139 : i32 to vector<108x9xi32>
    %lt3A_141 = arith.cmpi slt, %iota3A_0, %lt3A_140 : vector<108x9xi32>
    %select_n3A_142 = arith.select %lt3A_141, %convert_element_type3A, %select_n3A_122 : vector<108x9xi1>, vector<108x9xi32>
    %select_n3A_143 = arith.select %lt3A_138, %select_n3A_131, %select_n3A_142 : vector<108x9xi1>, vector<108x9xi32>
    %convert_element_type3A_144 = arith.sitofp %select_n3A_143 : vector<108x9xi32> to vector<108x9xbf16>
    %get3A = arith.constant 0 : index
    %get3A_145 = arith.constant 0 : index
    %get3A_146 = vector.load %arg1[%get3A, %get3A_145] : memref<9x32768xbf16, #tpu.memory_space<vmem>>, vector<9x32768xbf16>
    %dot_general3A = arith.constant dense<0.000000e+00> : vector<108x32768xf32>
    %dot_general3A_147 = tpu.matmul %convert_element_type3A_144, %get3A_146, %dot_general3A {dimension_numbers = #tpu.dot_dimension_numbers<[1], [0], [0], [1], [0, 0, 1, 1], [], []>, transpose_lhs_hint = false} : vector<108x9xbf16>, vector<9x32768xbf16>, vector<108x32768xf32> -> vector<108x32768xf32>
    %convert_element_type3A_148 = arith.fptosi %dot_general3A_147 : vector<108x32768xf32> to vector<108x32768xi32>
    %reshape3A = vector.shape_cast %convert_element_type3A_148 : vector<108x32768xi32> to vector<27x4x32768xi32>
    %swap3A = arith.constant 0 : index
    %swap3A_149 = arith.constant 0 : index
    %swap3A_150 = arith.constant 0 : index
    %swap3A_151 = vector.load %arg2[%swap3A, %swap3A_149, %swap3A_150] : memref<27x4x32768xi32, #tpu.memory_space<vmem>>, vector<27x4x32768xi32>
    tpu.vector_store %arg2[%swap3A, %swap3A_149, %swap3A_150], %reshape3A {strides = array<i32>} : memref<27x4x32768xi32, #tpu.memory_space<vmem>>, vector<27x4x32768xi32>,
    return
  }
  func.func @transform_0(%arg0: i32) -> (i32, i32) {
    %c0_i32 = arith.constant 0 : i32
    %c0_i32_0 = arith.constant 0 : i32
    return %c0_i32, %arg0 : i32, i32
  }
  func.func @transform_1(%arg0: i32) -> (i32, i32, i32) {
    %c0_i32 = arith.constant 0 : i32
    %c0_i32_0 = arith.constant 0 : i32
    %c0_i32_1 = arith.constant 0 : i32
    return %c0_i32, %c0_i32_0, %arg0 : i32, i32, i32
  }
}

</mosaic_0001>

<sc_bundles>
// kernel: kernel.6.cloned.1.call-start
scs
__scs_entry_jumppad:
0x0: {  	(pc) =	sbr.rel $0x88, $3  }
0x1: {  	(tag) =	ssettag $0x0;
	lr =	simm.s32 $0x1  }
0x2: {  	[smem:$0x3F9E] =	sst lr;
	_ =	strace $0xD0000000  }
0x3: {  	_ = 	snop  }
0x4: {  	_ = 	snop  }
0x5: {  	_ = 	snop  }
0x6: {  	_ = 	snop  }
0x7: {  	_ = 	snop  }
__scs_overlays_trampoline_lowered:
0x8: {  	[smem:$0x3FAD] =	sst s0  }
0x9: {  	[smem:$0x3FAE] =	sst s1  }
0xa: {  	[smem:$0x3FAF] =	sst s2  }
0xb: {  	[smem:$0x3FB0] =	sst s3  }
0xc: {  	[smem:$0x3FB1] =	sst s4  }
0xd: {  	[smem:$0x3FB2] =	sst s5  }
0xe: {  	[smem:$0x3FB3] =	sst s6  }
0xf: {  	[smem:$0x3FB4] =	sst s7  }
0x10: {  	[smem:$0x3FB5] =	sst s8  }
0x11: {  	[smem:$0x3FB6] =	sst s9;
	s0 =	simm.s32 @!p0 $0x0  }
0x12: {  	s1 =	sld [smem:$0x3F9C];
	s0 =	simm.s32 @p0 $0x1  }
0x13: {  	[smem:$0x3FB7] =	sst s0;
	s0 =	simm.s32 @!p1 $0x0  }
0x14: {  	s2 =	sld [smem:$0x3F9B];
	s0 =	simm.s32 @p1 $0x1  }
0x15: {  	[smem:$0x3FB8] =	sst s0;
	s0 =	simm.s32 @!p2 $0x0  }
0x16: {  	s3 =	sld [smem:$0x3FDB];
	s0 =	simm.s32 @p2 $0x1  }
0x17: {  	s4 =	simm.s32 $0x1BF5;
	[smem:$0x3FBA] =	sst s0  }
0x18: {  	s0 =	sld [smem:$0x3F9D];
	_ =	swait.ge [sflag:s4], $0x0  }
0x19: {  	s7 =	sld [smem:$0x3F9E]  }
0x1a: {  	s8 =	sadd.s32 $0xFFFFE003, lr  }
0x1b: {  	s9 =	sadd.s32 $0xFFFFFEF7, lr;
	s5 =	simm.s32 $0xFFFFFFFF;
	p2 =	slt.u32 s8, $0xFFFFF086  }
0x1c: {  	p1 =	slt.u32 s9, $0xF7A;
	s5 =	simm.s32 @!p2 $0x0  }
0x1d: {  	s5 =	simm.s32 @p1 $0x1;
	p0 =	seq.s32 s7, s2  }
0x1e: {  	s7 =	smul.u32 @!p0 $0xF7A, s2;
	p2 =	seq.s32 @!p0 s5, $0x0  }
0x1f: {  	s9 =	smul.u32 $0xF7A, s1;
	s8 =	simm.s32 @!p0 $0x1BF5;
	p2 =	por !p2, p0  }
0x20: {  	[sflag:s8] =	ssyncset.s32 @!p0 $0xFFFFF086;
	s6 =	sadd.s32 @!p0 s3, s7;
	s7 =	simm.s32 @!p0 $0x108  }
0x21: {  	s3 =	sadd.s32 s3, s9;
	s6 =	sadd.s32 @!p0 $0x88, s6;
	s7 =	simm.s32 @p2 $0x1082  }
0x22: {  	[simem:s7], [sflag:s8] =	dma.local @!p0 [hbm:s6], $0xF7A  }
0x23: {  	s9 =	sor.u32 $0xD0000000, s2;
	s6 =	simm.s32 $0x108;
	_ =	swait.ge @!p0 [sflag:s8], $0x0  }
0x24: {  	s3 =	sadd.s32 $0x88, s3;
	s6 =	simm.s32 @!p1 $0x1082;
	[sflag:s4] =	ssyncset.s32 $0xFFFFF086  }
0x25: {  	[simem:s6], [sflag:s4] =	dma.local [hbm:s3], $0xF7A  }
0x26: {  	[smem:$0x3F9E] =	sst s1;
	(tag) =	ssettag s2;
	_ =	strace s9  }
0x27: {  	s1 =	sld [smem:$0x3FAE]  }
0x28: {  	s2 =	sld [smem:$0x3FAF]  }
0x29: {  	s4 =	sld [smem:$0x3FB1]  }
0x2a: {  	p0 =	seq.s32 s5, $0x0;
	s5 =	sld [smem:$0x3FB2]  }
0x2b: {  	s6 =	sld [smem:$0x3FB3]  }
0x2c: {  	s7 =	sld [smem:$0x3FB4]  }
0x2d: {  	s3 =	simm.s32 $0x108;
	s8 =	sld [smem:$0x3FB5]  }
0x2e: {  	s3 =	simm.s32 @!p0 $0x1082;
	s9 =	sld [smem:$0x3FB6]  }
0x2f: {  	lr =	sadd.s32 s0, s3;
	s0 =	sld [smem:$0x3FAD]  }
0x30: {  	s3 =	sld [smem:$0x3FB0]  }
0x31: {  	[smem:$0x3FB9] =	sst s10  }
0x32: {  	s10 =	sld [smem:$0x3FB7];
	_ =	sdelay $0x3  }
0x33: {  	p0 =	seq.s32 s10, $0x1;
	s10 =	sld [smem:$0x3FB9];
	_ =	sdelay $0x3  }
0x34: {  	[smem:$0x3FB9] =	sst s10  }
0x35: {  	s10 =	sld [smem:$0x3FB8];
	_ =	sdelay $0x3  }
0x36: {  	p1 =	seq.s32 s10, $0x1;
	s10 =	sld [smem:$0x3FB9];
	_ =	sdelay $0x3  }
0x37: {  	[smem:$0x3FB9] =	sst s10  }
0x38: {  	s10 =	sld [smem:$0x3FBA]  }
0x39: {  	_ = 	snop;
	(pc) =	sbr.ind lr, $3  }
0x3a: {  	_ = 	snop  }
0x3b: {  	_ = 	snop  }
0x3c: {  	p2 =	seq.s32 s10, $0x1;
	s10 =	sld [smem:$0x3FB9]  }
0x3d: {  	_ =	shalt  }
0x3e: {  	_ =	shalt  }
0x3f: {  	_ =	shalt  }
0x40: {  	_ =	shalt  }
0x41: {  	_ =	shalt  }
0x42: {  	_ =	shalt  }
0x43: {  	_ =	shalt  }
0x44: {  	_ =	shalt  }
0x45: {  	_ =	shalt  }
0x46: {  	_ =	shalt  }
0x47: {  	_ =	shalt  }
0x48: {  	_ =	shalt  }
0x49: {  	_ =	shalt  }
0x4a: {  	_ =	shalt  }
0x4b: {  	_ =	shalt  }
0x4c: {  	_ =	shalt  }
0x4d: {  	_ =	shalt  }
0x4e: {  	_ =	shalt  }
0x4f: {  	_ =	shalt  }
0x50: {  	_ =	shalt  }
0x51: {  	_ =	shalt  }
0x52: {  	_ =	shalt  }
0x53: {  	_ =	shalt  }
0x54: {  	_ =	shalt  }
0x55: {  	_ =	shalt  }
0x56: {  	_ =	shalt  }
0x57: {  	_ =	shalt  }
0x58: {  	_ =	shalt  }
0x59: {  	_ =	shalt  }
0x5a: {  	_ =	shalt  }
0x5b: {  	_ =	shalt  }
0x5c: {  	_ =	shalt  }
0x5d: {  	_ =	shalt  }
0x5e: {  	_ =	shalt  }
0x5f: {  	_ =	shalt  }
0x60: {  	_ =	shalt  }
0x61: {  	_ =	shalt  }
0x62: {  	_ =	shalt  }
0x63: {  	_ =	shalt  }
0x64: {  	_ =	shalt  }
0x65: {  	_ =	shalt  }
0x66: {  	_ =	shalt  }
0x67: {  	_ =	shalt  }
0x68: {  	_ =	shalt  }
0x69: {  	_ =	shalt  }
0x6a: {  	_ =	shalt  }
0x6b: {  	_ =	shalt  }
0x6c: {  	_ =	shalt  }
0x6d: {  	_ =	shalt  }
0x6e: {  	_ =	shalt  }
0x6f: {  	_ =	shalt  }
0x70: {  	_ =	shalt  }
0x71: {  	_ =	shalt  }
0x72: {  	_ =	shalt  }
0x73: {  	_ =	shalt  }
0x74: {  	_ =	shalt  }
0x75: {  	_ =	shalt  }
0x76: {  	_ =	shalt  }
0x77: {  	_ =	shalt  }
0x78: {  	_ =	shalt  }
0x79: {  	_ =	shalt  }
0x7a: {  	_ =	shalt  }
0x7b: {  	_ =	shalt  }
0x7c: {  	_ =	shalt  }
0x7d: {  	_ =	shalt  }
0x7e: {  	_ =	shalt  }
0x7f: {  	_ =	shalt  }
0x80: {  	_ =	shalt  }
0x81: {  	_ =	shalt  }
0x82: {  	_ =	shalt  }
0x83: {  	_ =	shalt  }
0x84: {  	_ =	shalt  }
0x85: {  	_ =	shalt  }
0x86: {  	_ =	shalt  }
0x87: {  	_ =	shalt  }
.Lfunc_end0:
.L_simem_size_0:
called_computation_lowered:
.L_overlay_start_0:
0x88: {  	s2 =	sld [smem:$0x3FD9]  }
0x89: {  	s3 =	sld [smem:$0x3FFE];
	_ =	sdelay $0x1  }
0x8a: {  	s1 =	srdreg.scid  }
0x8b: {  	s0 =	sand.u32 $0x1, s1  }
0x8c: {  	s17 =	sshll.u32 s0, $0xA;
	s2 =	sadd.s32 s3, s2  }
0x8d: {  	s2 =	sadd.s32 s2, s17  }
0x8e: {  	[smem:$0x3FC5] =	sst s2  }
0x8f: {  	_ = 	snop  }
0x90: {  	s2 =	sld [smem:$0x3FC7];
	(tm) =	ssettm $0x1  }
0x91: {  	s18 =	sld [smem:$0x3FFB];
	_ =	sdelay $0x3  }
0x92: {  	_ =	strace s18  }
0x93: {  	s3 =	sld [smem:$0x3FFC];
	_ =	sdelay $0x3  }
0x94: {  	_ =	strace s3  }
0x95: {  	s3 =	sld [smem:$0x3FFD];
	_ =	sdelay $0x3  }
0x96: {  	_ =	strace s3  }
0x97: {  	_ =	strace $0x8FFFFFFF  }
0x98: {  	s19 =	sld [smem:$0x3FDB];
	_ =	sdelay $0x1  }
0x99: {  	s4 =	simm.s32 $_scs_section_size  }
0x9a: {  	s5 =	simm.s32 $_size__tile_overlayer_lowered;
	s6 =	simm.s32 $_tile_overlayer_lowered  }
0x9b: {  	s22 =	simm.s32 $0x1BFF;
	s21 =	sshll.u32 s6, $0x1;
	s3 =	sadd.s32 s4, s19  }
0x9c: {  	s7 =	simm.s32 $0x0;
	s20 =	sshll.u32 s5, $0x1;
	s5 =	sadd.s32 s21, s3  }
0x9d: {  	[timem:s7], [sflag:s22] =	dma.local [hbm:s5], s20  }
0x9e: {  	_ =	swait.ge [sflag:s22], s20  }
0x9f: {  	s4 =	ssub.s32 $0x0, s20;
	[sflag:s22] =	ssyncset.done $0x0  }
0xa0: {  	[sflag:s22] =	ssyncadd.s32 s4;
	_ =	sdelay $0x1  }
0xa1: {  	s23 =	simm.s32 $0x1B8B  }
0xa2: {  	_ =	swait.ge [sflag:s23], $0x1  }
0xa3: {  	[sflag:s23] =	ssyncset.done $0x0  }
0xa4: {  	s25 =	simm.s32 $0x1B8E;
	s24 =	sld [smem:$0x3FFE];
	[sflag:s23] =	ssyncadd.s32 $0xFFFFFFFF  }
0xa5: {  	s26 =	simm.s32 $execute0_lowered;
	[smem:$0x3FD2] =	sst s25  }
0xa6: {  	s5 =	sshll.u32 s26, $0x1;
	_ =	strace $0x80000046;
	[dreg:$0x1] =	wrdreg $0xFFFFFFFF  }
0xa7: {  	s28 =	simm.s32 $_size_execute0_lowered;
	s3 =	sadd.s32 s3, s5;
	[dreg:$0x0] =	wrdreg $0x0  }
0xa8: {  	s5 =	sshll.u32 s28, $0x1;
	[dreg:$0x2] =	wrdreg s3  }
0xa9: {  	[dreg:$0x3] =	wrdreg s5  }
0xaa: {  	[dreg:$0x4] =	wrdreg $0xC0  }
0xab: {  	_ =	task [dreg:s7], $0x5FFFF  }
0xac: {  	[dreg:$0x1] =	wrdreg $0xFFFFFFFF  }
0xad: {  	[dreg:$0x0] =	wrdreg $0x60  }
0xae: {  	[dreg:$0x2] =	wrdreg s2  }
0xaf: {  	[dreg:$0x3] =	wrdreg s24  }
0xb0: {  	[dreg:$0x4] =	wrdreg $0x9  }
0xb1: {  	_ =	task.clear_ibuf [dreg:s7], $0x5FFFF;
	_ =	strace $0x90000046  }
0xb2: {  	s29 =	simm.s32 $0x9;
	_ =	strace $0x80000048  }
0xb3: {  	_ =	swait.ge [sflag:s29], $0x1  }
0xb4: {  	[sflag:s29] =	ssyncadd.s32 $0xFFFFFFFF  }
0xb5: {  	_ =	strace $0x90000048  }
0xb6: {  	_ =	sfence  }
0xb7: {  	s30 =	sld [smem:$0x0];
	_ =	sdelay $0x2  }
0xb8: {  	s31 =	sshll.u32 s1, $0xD;
	s1 =	sshrl.u32 s1, $0x2  }
0xb9: {  	s3 =	sand.u32 $0x4000, s31;
	s1 =	sadd.s32 s1, s30  }
0xba: {  	s0 =	sor.u32 s3, s0;
	s1 =	sshll.u32 s1, $0x11  }
0xbb: {  	s0 =	sor.u32 s1, s0  }
0xbc: {  	s0 =	sadd.s32 $0x8F2B, s0  }
0xbd: {  	[sflag:s0] =	ssyncadd.remote.s32 $0x1  }
0xbe: {  	_ =	sfence.sel $0xFFFF  }
0xbf: {  	[dreg:$0x0] =	wrdreg $0xFFFFFFFF;
	(pc) =	sbr.abs _section_cstart, $3  }
0xc0: {  	[dreg:$0x1] =	wrdreg $0xFFFFFFFF  }
0xc1: {  	_ =	task.clear_ibuf [dreg:s7], $0x2FFFF;
	_ =	strace $0x9FFFFFFF  }
0xc2: {  	(tm) =	ssettm $0x7FFFFFFF  }
0xc3: {  	_ =	shalt  }
tec
execute0_lowered:
.L_overlay_start_1:
0x0: {  	(tag) =	ssettag $0x1  }
0x1: {  	s3 =	rddreg [dreg:$0x0]  }
0x2: {  	s4 =	rddreg [dreg:$0x1]  }
0x3: {  	s0 =	rddreg [dreg:$0x2]  }
0x4: {  	s5 =	srdreg.scid;
	s1 =	stileid.u32  }
0x5: {  	s2 =	simm.s32 $0x0;
	s5 =	sand.u32 $0x1, s5;
	s6 =	sshll.u32 s1, $0x1  }
0x6: {  	[smem:$0x7FF] =	sst s2;
	s6 =	sor.u32 s5, s6;
	s5 =	ssub.s32 $0x2, s5  }
0x7: {  	_ =	strace $0x80000047;
	s7 =	sshll.u32 s6, $0x4;
	s8 =	sshrl.u32 s5, $0x1  }
0x8: {  	s6 =	sshll.u32 s6, $0xA;
	s4 =	sadd.s32 s7, s4;
	s5 =	ssub.s32 s5, s8  }
0x9: {  	s3 =	sadd.s32 s3, s6;
	s6 =	simm.s32 $0x1;
	s7 =	simm.s32 $0x2000  }
0xa: {  	v0 =	vimm.s32 $0x0;
	v1 =	vimm.s32 $0x1;
	s8 =	simm.s32 $0x0;
	s4 =	sadd.s32 $0xC00, s4;
	s5 =	smax.u32 s5, $0x1  }
.LBB2_1:
0xb: {  	[tilespmem:s2], [sflag:$0x1] =	stream.linear.gather [hbm4b:s3+s2], $0x2000, $0x38;
	[tilespmem:$0x2080] =	vst v63  }
0xc: {  	_ =	swait.ge [sflag:s6], $0x2000  }
0xd: {  	[sflag:s6] =	ssyncset.done $0x0  }
0xe: {  	[sflag:s6] =	ssyncadd.s32 $0xFFFFE000  }
0xf: {  	[tilespmem:$0x2000] =	vst v0  }
0x10: {  	[tilespmem:$0x2010] =	vst v0  }
0x11: {  	[tilespmem:$0x2020] =	vst v0  }
0x12: {  	s10 =	simm.s32 $0x0;
	s9 =	simm.s32 $0x40;
	[tilespmem:$0x2030] =	vst v0  }
.LBB2_2:
0x13: {  	p0 =	sne.s32 s9, $0x7FC0;
	v2 =	vld [tilespmem:s10+$0x0];
	_ =	sdelay $0x3  }
.Ltmp0:
0x14: {  	(pc) =	sbr.rel @p0 .LBB2_2-.Ltmp0, $2  }
0x15: {  	_ =	sdelay $0x2  }
0x16: {  	s10 =	sshra.s32 s9, $0x2;
	s9 =	sadd.s32 $0x40, s9;
	[tilespmem:v2+s7+$0x0] =	vst.idx.add.s32.msk $0xffff, v1  }
0x17: {  	v2 =	vld [tilespmem:s10+$0x0];
	_ =	sdelay $0x5  }
0x18: {  	s8 =	sadd.s32 $0x1, s8  }
0x19: {  	p0 =	sne.s32 s8, s5  }
.Ltmp1:
0x1a: {  	[tilespmem:v2+s7+$0x0] =	vst.idx.add.s32.msk $0xffff, v1;
	(pc) =	sbr.rel @p0 .LBB2_1-.Ltmp1, $4  }
0x1b: {  	[hbm4b:s4+s2] =	stream.linear.scatter [tilespmem:s7], [sflag:$0x1], $0x80, $0x38;
	[tilespmem:$0x2080] =	vst v63  }
0x1c: {  	_ =	swait.ge [sflag:s6], $0x80  }
0x1d: {  	[sflag:s6] =	ssyncset.done $0x0  }
0x1e: {  	[sflag:s6] =	ssyncadd.s32 $0xFFFFFF80  }
0x1f: {  	_ =	sfence.sel $0x180000  }
0x20: {  	[bflag:$0x0] =	sbarrier.arrive $0xFFFF  }
0x21: {  	p0 =	sne.s32 s1, $0x0;
	_ =	strace $0x90000047  }
0x22: {  	s0 =	sadd.s32 @!p0 $0x100000, s0;
	[bflag:$0x2] =	sbarrier.arrive $0xFFFF  }
0x23: {  	[sflag:s0] =	ssyncadd.tile.s32 @!p0 $0x1;
	_ =	shalt  }
.Lfunc_end2:
_tile_overlayer_lowered:
.L_overlay_start_2:
0x24: {  	(tag) =	ssettag $0x2  }
0x25: {  	s0 =	rddreg [dreg:$0x0];
	s2 =	stileid.u32  }
0x26: {  	s1 =	rddreg [dreg:$0x1];
	p0 =	sne.s32 s2, $0x0  }
0x27: {  	s3 =	rddreg [dreg:$0x2];
	[bflag:$0x3] =	sbarrier.arrive $0xFFFF;
	s2 =	simm.s32 @!p0 $0x1C01  }
0x28: {  	[timem:s3], [sflag:s2] =	dma.local @!p0 [hbm:s0], s1  }
0x29: {  	s0 =	simm.s32 @!p0 $0x1  }
0x2a: {  	_ =	swait.ge @!p0 [sflag:s0], s1  }
0x2b: {  	s1 =	ssub.s32 @!p0 $0x0, s1;
	[sflag:s0] =	ssyncset.done @!p0 $0x0  }
0x2c: {  	[sflag:s0] =	ssyncadd.s32 @!p0 s1  }
0x2d: {  	[bflag:$0x3] =	sbarrier.arrive $0xFFFF  }
0x2e: {  	_ =	shalt  }

// kernel: kernel.9.cloned.1.call-start
scs
__scs_entry_jumppad:
0x0: {  	(pc) =	sbr.rel $0x88, $3  }
0x1: {  	(tag) =	ssettag $0x0;
	lr =	simm.s32 $0x1  }
0x2: {  	[smem:$0x3F9E] =	sst lr;
	_ =	strace $0xD0000000  }
0x3: {  	_ = 	snop  }
0x4: {  	_ = 	snop  }
0x5: {  	_ = 	snop  }
0x6: {  	_ = 	snop  }
0x7: {  	_ = 	snop  }
__scs_overlays_trampoline_lowered:
0x8: {  	[smem:$0x3FAD] =	sst s0  }
0x9: {  	[smem:$0x3FAE] =	sst s1  }
0xa: {  	[smem:$0x3FAF] =	sst s2  }
0xb: {  	[smem:$0x3FB0] =	sst s3  }
0xc: {  	[smem:$0x3FB1] =	sst s4  }
0xd: {  	[smem:$0x3FB2] =	sst s5  }
0xe: {  	[smem:$0x3FB3] =	sst s6  }
0xf: {  	[smem:$0x3FB4] =	sst s7  }
0x10: {  	[smem:$0x3FB5] =	sst s8  }
0x11: {  	[smem:$0x3FB6] =	sst s9;
	s0 =	simm.s32 @!p0 $0x0  }
0x12: {  	s1 =	sld [smem:$0x3F9C];
	s0 =	simm.s32 @p0 $0x1  }
0x13: {  	[smem:$0x3FB7] =	sst s0;
	s0 =	simm.s32 @!p1 $0x0  }
0x14: {  	s2 =	sld [smem:$0x3F9B];
	s0 =	simm.s32 @p1 $0x1  }
0x15: {  	[smem:$0x3FB8] =	sst s0;
	s0 =	simm.s32 @!p2 $0x0  }
0x16: {  	s3 =	sld [smem:$0x3FDB];
	s0 =	simm.s32 @p2 $0x1  }
0x17: {  	s4 =	simm.s32 $0x1BF5;
	[smem:$0x3FBA] =	sst s0  }
0x18: {  	s0 =	sld [smem:$0x3F9D];
	_ =	swait.ge [sflag:s4], $0x0  }
0x19: {  	s7 =	sld [smem:$0x3F9E]  }
0x1a: {  	s8 =	sadd.s32 $0xFFFFE003, lr  }
0x1b: {  	s9 =	sadd.s32 $0xFFFFFEF7, lr;
	s5 =	simm.s32 $0xFFFFFFFF;
	p2 =	slt.u32 s8, $0xFFFFF086  }
0x1c: {  	p1 =	slt.u32 s9, $0xF7A;
	s5 =	simm.s32 @!p2 $0x0  }
0x1d: {  	s5 =	simm.s32 @p1 $0x1;
	p0 =	seq.s32 s7, s2  }
0x1e: {  	s7 =	smul.u32 @!p0 $0xF7A, s2;
	p2 =	seq.s32 @!p0 s5, $0x0  }
0x1f: {  	s9 =	smul.u32 $0xF7A, s1;
	s8 =	simm.s32 @!p0 $0x1BF5;
	p2 =	por !p2, p0  }
0x20: {  	[sflag:s8] =	ssyncset.s32 @!p0 $0xFFFFF086;
	s6 =	sadd.s32 @!p0 s3, s7;
	s7 =	simm.s32 @!p0 $0x108  }
0x21: {  	s3 =	sadd.s32 s3, s9;
	s6 =	sadd.s32 @!p0 $0x88, s6;
	s7 =	simm.s32 @p2 $0x1082  }
0x22: {  	[simem:s7], [sflag:s8] =	dma.local @!p0 [hbm:s6], $0xF7A  }
0x23: {  	s9 =	sor.u32 $0xD0000000, s2;
	s6 =	simm.s32 $0x108;
	_ =	swait.ge @!p0 [sflag:s8], $0x0  }
0x24: {  	s3 =	sadd.s32 $0x88, s3;
	s6 =	simm.s32 @!p1 $0x1082;
	[sflag:s4] =	ssyncset.s32 $0xFFFFF086  }
0x25: {  	[simem:s6], [sflag:s4] =	dma.local [hbm:s3], $0xF7A  }
0x26: {  	[smem:$0x3F9E] =	sst s1;
	(tag) =	ssettag s2;
	_ =	strace s9  }
0x27: {  	s1 =	sld [smem:$0x3FAE]  }
0x28: {  	s2 =	sld [smem:$0x3FAF]  }
0x29: {  	s4 =	sld [smem:$0x3FB1]  }
0x2a: {  	p0 =	seq.s32 s5, $0x0;
	s5 =	sld [smem:$0x3FB2]  }
0x2b: {  	s6 =	sld [smem:$0x3FB3]  }
0x2c: {  	s7 =	sld [smem:$0x3FB4]  }
0x2d: {  	s3 =	simm.s32 $0x108;
	s8 =	sld [smem:$0x3FB5]  }
0x2e: {  	s3 =	simm.s32 @!p0 $0x1082;
	s9 =	sld [smem:$0x3FB6]  }
0x2f: {  	lr =	sadd.s32 s0, s3;
	s0 =	sld [smem:$0x3FAD]  }
0x30: {  	s3 =	sld [smem:$0x3FB0]  }
0x31: {  	[smem:$0x3FB9] =	sst s10  }
0x32: {  	s10 =	sld [smem:$0x3FB7];
	_ =	sdelay $0x3  }
0x33: {  	p0 =	seq.s32 s10, $0x1;
	s10 =	sld [smem:$0x3FB9];
	_ =	sdelay $0x3  }
0x34: {  	[smem:$0x3FB9] =	sst s10  }
0x35: {  	s10 =	sld [smem:$0x3FB8];
	_ =	sdelay $0x3  }
0x36: {  	p1 =	seq.s32 s10, $0x1;
	s10 =	sld [smem:$0x3FB9];
	_ =	sdelay $0x3  }
0x37: {  	[smem:$0x3FB9] =	sst s10  }
0x38: {  	s10 =	sld [smem:$0x3FBA]  }
0x39: {  	_ = 	snop;
	(pc) =	sbr.ind lr, $3  }
0x3a: {  	_ = 	snop  }
0x3b: {  	_ = 	snop  }
0x3c: {  	p2 =	seq.s32 s10, $0x1;
	s10 =	sld [smem:$0x3FB9]  }
0x3d: {  	_ =	shalt  }
0x3e: {  	_ =	shalt  }
0x3f: {  	_ =	shalt  }
0x40: {  	_ =	shalt  }
0x41: {  	_ =	shalt  }
0x42: {  	_ =	shalt  }
0x43: {  	_ =	shalt  }
0x44: {  	_ =	shalt  }
0x45: {  	_ =	shalt  }
0x46: {  	_ =	shalt  }
0x47: {  	_ =	shalt  }
0x48: {  	_ =	shalt  }
0x49: {  	_ =	shalt  }
0x4a: {  	_ =	shalt  }
0x4b: {  	_ =	shalt  }
0x4c: {  	_ =	shalt  }
0x4d: {  	_ =	shalt  }
0x4e: {  	_ =	shalt  }
0x4f: {  	_ =	shalt  }
0x50: {  	_ =	shalt  }
0x51: {  	_ =	shalt  }
0x52: {  	_ =	shalt  }
0x53: {  	_ =	shalt  }
0x54: {  	_ =	shalt  }
0x55: {  	_ =	shalt  }
0x56: {  	_ =	shalt  }
0x57: {  	_ =	shalt  }
0x58: {  	_ =	shalt  }
0x59: {  	_ =	shalt  }
0x5a: {  	_ =	shalt  }
0x5b: {  	_ =	shalt  }
0x5c: {  	_ =	shalt  }
0x5d: {  	_ =	shalt  }
0x5e: {  	_ =	shalt  }
0x5f: {  	_ =	shalt  }
0x60: {  	_ =	shalt  }
0x61: {  	_ =	shalt  }
0x62: {  	_ =	shalt  }
0x63: {  	_ =	shalt  }
0x64: {  	_ =	shalt  }
0x65: {  	_ =	shalt  }
0x66: {  	_ =	shalt  }
0x67: {  	_ =	shalt  }
0x68: {  	_ =	shalt  }
0x69: {  	_ =	shalt  }
0x6a: {  	_ =	shalt  }
0x6b: {  	_ =	shalt  }
0x6c: {  	_ =	shalt  }
0x6d: {  	_ =	shalt  }
0x6e: {  	_ =	shalt  }
0x6f: {  	_ =	shalt  }
0x70: {  	_ =	shalt  }
0x71: {  	_ =	shalt  }
0x72: {  	_ =	shalt  }
0x73: {  	_ =	shalt  }
0x74: {  	_ =	shalt  }
0x75: {  	_ =	shalt  }
0x76: {  	_ =	shalt  }
0x77: {  	_ =	shalt  }
0x78: {  	_ =	shalt  }
0x79: {  	_ =	shalt  }
0x7a: {  	_ =	shalt  }
0x7b: {  	_ =	shalt  }
0x7c: {  	_ =	shalt  }
0x7d: {  	_ =	shalt  }
0x7e: {  	_ =	shalt  }
0x7f: {  	_ =	shalt  }
0x80: {  	_ =	shalt  }
0x81: {  	_ =	shalt  }
0x82: {  	_ =	shalt  }
0x83: {  	_ =	shalt  }
0x84: {  	_ =	shalt  }
0x85: {  	_ =	shalt  }
0x86: {  	_ =	shalt  }
0x87: {  	_ =	shalt  }
.Lfunc_end0:
.L_simem_size_0:
called_computation.1_lowered:
.L_overlay_start_0:
0x88: {  	s2 =	sld [smem:$0x3FD9]  }
0x89: {  	s3 =	sld [smem:$0x3FFE];
	_ =	sdelay $0x1  }
0x8a: {  	s1 =	srdreg.scid  }
0x8b: {  	s0 =	sand.u32 $0x1, s1  }
0x8c: {  	s14 =	sshll.u32 s0, $0xA;
	s2 =	sadd.s32 s3, s2  }
0x8d: {  	s2 =	sadd.s32 s2, s14  }
0x8e: {  	[smem:$0x3FC5] =	sst s2  }
0x8f: {  	_ = 	snop  }
0x90: {  	s2 =	sld [smem:$0x3FD0];
	_ =	sdelay $0x2  }
0x91: {  	s4 =	simm.s32 $0xA;
	s5 =	simm.s32 $0x10;
	s15 =	sld [smem:$0x3FC7]  }
0x92: {  	[smem:s5], [sflag:s4] =	dma.local [hbm:s2], $0x1  }
0x93: {  	_ =	swait.eq [sflag:s4], $0x1  }
0x94: {  	[sflag:s4] =	ssyncset.done $0x0  }
0x95: {  	[sflag:s4] =	ssyncadd.s32 $0xFFFFFFFF  }
0x96: {  	s16 =	sld [smem:$0x11];
	(tm) =	ssettm $0x1  }
0x97: {  	s17 =	sld [smem:$0x3FFB];
	_ =	sdelay $0x3  }
0x98: {  	_ =	strace s17  }
0x99: {  	s4 =	sld [smem:$0x3FFC];
	_ =	sdelay $0x3  }
0x9a: {  	_ =	strace s4  }
0x9b: {  	s4 =	sld [smem:$0x3FFD];
	_ =	sdelay $0x3  }
0x9c: {  	_ =	strace s4  }
0x9d: {  	_ =	strace $0x8FFFFFFF  }
0x9e: {  	s18 =	sld [smem:$0x3FDB];
	_ =	sdelay $0x1  }
0x9f: {  	s19 =	simm.s32 $_scs_section_size  }
0xa0: {  	s6 =	simm.s32 $_size__tile_overlayer_lowered;
	s7 =	simm.s32 $_tile_overlayer_lowered  }
0xa1: {  	s22 =	simm.s32 $0x1BFF;
	s21 =	sshll.u32 s7, $0x1;
	s4 =	sadd.s32 s19, s18  }
0xa2: {  	s8 =	simm.s32 $0x0;
	s20 =	sshll.u32 s6, $0x1;
	s6 =	sadd.s32 s21, s4  }
0xa3: {  	[timem:s8], [sflag:s22] =	dma.local [hbm:s6], s20  }
0xa4: {  	_ =	swait.ge [sflag:s22], s20  }
0xa5: {  	s5 =	ssub.s32 $0x0, s20;
	[sflag:s22] =	ssyncset.done $0x0  }
0xa6: {  	[sflag:s22] =	ssyncadd.s32 s5;
	_ =	sdelay $0x1  }
0xa7: {  	s23 =	simm.s32 $0x1B8B  }
0xa8: {  	_ =	swait.ge [sflag:s23], $0x1  }
0xa9: {  	[sflag:s23] =	ssyncset.done $0x0  }
0xaa: {  	s25 =	simm.s32 $0x1B8E;
	s24 =	sld [smem:$0x3FFE];
	[sflag:s23] =	ssyncadd.s32 $0xFFFFFFFF  }
0xab: {  	s26 =	simm.s32 $execute0_lowered;
	[smem:$0x3FD2] =	sst s25  }
0xac: {  	s6 =	sshll.u32 s26, $0x1;
	_ =	strace $0x80000049;
	[dreg:$0x1] =	wrdreg $0xFFFFFFFF  }
0xad: {  	s28 =	simm.s32 $_size_execute0_lowered;
	s4 =	sadd.s32 s4, s6;
	[dreg:$0x0] =	wrdreg $0x0  }
0xae: {  	s6 =	sshll.u32 s28, $0x1;
	[dreg:$0x2] =	wrdreg s4  }
0xaf: {  	[dreg:$0x3] =	wrdreg s6  }
0xb0: {  	[dreg:$0x4] =	wrdreg $0xC0  }
0xb1: {  	_ =	task [dreg:s8], $0x5FFFF  }
0xb2: {  	[dreg:$0x1] =	wrdreg $0xFFFFFFFF  }
0xb3: {  	[dreg:$0x0] =	wrdreg $0x60  }
0xb4: {  	[dreg:$0x2] =	wrdreg s24  }
0xb5: {  	[dreg:$0x3] =	wrdreg s15  }
0xb6: {  	[dreg:$0x4] =	wrdreg s16  }
0xb7: {  	[dreg:$0x5] =	wrdreg $0x9  }
0xb8: {  	_ =	task.clear_ibuf [dreg:s8], $0x6FFFF;
	_ =	strace $0x90000049  }
0xb9: {  	s29 =	simm.s32 $0x9;
	_ =	strace $0x8000004B  }
0xba: {  	_ =	swait.ge [sflag:s29], $0x1  }
0xbb: {  	[sflag:s29] =	ssyncadd.s32 $0xFFFFFFFF  }
0xbc: {  	_ =	strace $0x9000004B  }
0xbd: {  	_ =	sfence  }
0xbe: {  	s30 =	sld [smem:$0x0];
	_ =	sdelay $0x2  }
0xbf: {  	s31 =	sshll.u32 s1, $0xD;
	s1 =	sshrl.u32 s1, $0x2  }
0xc0: {  	s3 =	sand.u32 $0x4000, s31;
	s1 =	sadd.s32 s1, s30  }
0xc1: {  	s0 =	sor.u32 s3, s0;
	s1 =	sshll.u32 s1, $0x11  }
0xc2: {  	s0 =	sor.u32 s1, s0  }
0xc3: {  	s0 =	sadd.s32 $0x8F2B, s0  }
0xc4: {  	[sflag:s0] =	ssyncadd.remote.s32 $0x1  }
0xc5: {  	_ =	sfence.sel $0xFFFF  }
0xc6: {  	[dreg:$0x0] =	wrdreg $0xFFFFFFFF;
	(pc) =	sbr.abs _section_cstart, $3  }
0xc7: {  	[dreg:$0x1] =	wrdreg $0xFFFFFFFF  }
0xc8: {  	_ =	task.clear_ibuf [dreg:s8], $0x2FFFF;
	_ =	strace $0x9FFFFFFF  }
0xc9: {  	(tm) =	ssettm $0x7FFFFFFF  }
tec
execute0_lowered:
.L_overlay_start_1:
0x0: {  	(tag) =	ssettag $0x1  }
0x1: {  	s3 =	rddreg [dreg:$0x0]  }
0x2: {  	s4 =	rddreg [dreg:$0x1]  }
0x3: {  	s5 =	rddreg [dreg:$0x2]  }
0x4: {  	s0 =	rddreg [dreg:$0x3]  }
0x5: {  	s2 =	simm.s32 $0x0;
	s6 =	srdreg.scid;
	s1 =	stileid.u32  }
0x6: {  	s10 =	simm.s32 $0x3080;
	s11 =	simm.s32 $0x0;
	[smem:$0x7FF] =	sst s2  }
0x7: {  	s6 =	sand.u32 $0x1, s6;
	s8 =	sshll.u32 s1, $0xB;
	s3 =	sadd.s32 $0xC00, s3  }
0x8: {  	_ =	strace $0x8000004A;
	s7 =	ssub.s32 $0x2, s6;
	s6 =	sshll.u32 s6, $0xA  }
0x9: {  	s9 =	sshrl.u32 s7, $0x1;
	s6 =	sor.u32 s6, s8;
	s8 =	simm.s32 $0x1080  }
0xa: {  	s7 =	ssub.s32 s7, s9;
	s4 =	sadd.s32 s4, s6;
	s5 =	sadd.s32 s5, s6  }
0xb: {  	v7 =	vimm.s32 $0x0;
	s9 =	simm.s32 $0x1000;
	s6 =	smax.u32 s7, $0x1;
	s7 =	simm.s32 $0x1  }
.LBB2_1:
0xc: {  	[tilespmem:s2], [sflag:$0x1] =	stream.linear.gather [hbm4b:s3+s2], $0x1000, $0x38;
	[tilespmem:$0x5080] =	vst v63  }
0xd: {  	_ =	swait.ge [sflag:s7], $0x1000  }
0xe: {  	[sflag:s7] =	ssyncset.done $0x0  }
0xf: {  	[sflag:s7] =	ssyncadd.s32 $0xFFFFF000  }
0x10: {  	[tilespmem:s8], [sflag:$0x1] =	stream.linear.gather [hbm4b:s4+s2], $0x2000, $0x38;
	[tilespmem:$0x5080] =	vst v63  }
0x11: {  	_ =	swait.ge [sflag:s7], $0x2000  }
0x12: {  	[sflag:s7] =	ssyncset.done $0x0  }
0x13: {  	[sflag:s7] =	ssyncadd.s32 $0xFFFFE000  }
0x14: {  	v17 =	vld [tilespmem:$0x0]  }
0x15: {  	v18 =	vld [tilespmem:$0x80]  }
0x16: {  	v19 =	vld [tilespmem:$0x100]  }
0x17: {  	v20 =	vld [tilespmem:$0x180]  }
0x18: {  	v22 =	vld [tilespmem:$0x200]  }
0x19: {  	v23 =	vld [tilespmem:$0x280]  }
0x1a: {  	v24 =	vld [tilespmem:$0x300]  }
0x1b: {  	v25 =	vld [tilespmem:$0x380]  }
0x1c: {  	v26 =	vld [tilespmem:$0x400]  }
0x1d: {  	v27 =	vld [tilespmem:$0x480]  }
0x1e: {  	v28 =	vld [tilespmem:$0x500]  }
0x1f: {  	v29 =	vld [tilespmem:$0x580]  }
0x20: {  	v30 =	vld [tilespmem:$0x600]  }
0x21: {  	v31 =	vld [tilespmem:$0x680]  }
0x22: {  	v32 =	vld [tilespmem:$0x700]  }
0x23: {  	v33 =	vld [tilespmem:$0x780]  }
0x24: {  	v34 =	vld [tilespmem:$0x800]  }
0x25: {  	v35 =	vld [tilespmem:$0x880]  }
0x26: {  	v36 =	vld [tilespmem:$0x900]  }
0x27: {  	v37 =	vld [tilespmem:$0x980]  }
0x28: {  	v38 =	vld [tilespmem:$0xA00]  }
0x29: {  	v39 =	vld [tilespmem:$0xA80]  }
0x2a: {  	v40 =	vld [tilespmem:$0xB00]  }
0x2b: {  	v41 =	vld [tilespmem:$0xB80]  }
0x2c: {  	v42 =	vld [tilespmem:$0xC00]  }
0x2d: {  	v43 =	vld [tilespmem:$0xC80]  }
0x2e: {  	v44 =	vld [tilespmem:$0xD00]  }
0x2f: {  	v45 =	vld [tilespmem:$0xD80]  }
0x30: {  	v46 =	vld [tilespmem:$0xE00]  }
0x31: {  	v47 =	vld [tilespmem:$0xE80]  }
0x32: {  	v48 =	vld [tilespmem:$0xF00]  }
0x33: {  	v49 =	vld [tilespmem:$0xF80]  }
0x34: {  	v50 =	vld [tilespmem:$0x10]  }
0x35: {  	v51 =	vld [tilespmem:$0x90]  }
0x36: {  	v52 =	vld [tilespmem:$0x110]  }
0x37: {  	v53 =	vld [tilespmem:$0x190]  }
0x38: {  	v54 =	vld [tilespmem:$0x210]  }
0x39: {  	v55 =	vld [tilespmem:$0x290]  }
0x3a: {  	v56 =	vld [tilespmem:$0x310]  }
0x3b: {  	v57 =	vld [tilespmem:$0x390]  }
0x3c: {  	v58 =	vld [tilespmem:$0x410]  }
0x3d: {  	v59 =	vld [tilespmem:$0x490]  }
0x3e: {  	v60 =	vld [tilespmem:$0x510]  }
0x3f: {  	v61 =	vld [tilespmem:$0x590]  }
0x40: {  	v62 =	vld [tilespmem:$0x610]  }
0x41: {  	v63 =	vld [tilespmem:$0x690]  }
0x42: {  	v0 =	vld [tilespmem:$0x710]  }
0x43: {  	v1 =	vld [tilespmem:$0x790]  }
0x44: {  	v21 =	vld [tilespmem:$0x810]  }
0x45: {  	v16 =	vld [tilespmem:$0x890]  }
0x46: {  	v15 =	vld [tilespmem:$0x910]  }
0x47: {  	v14 =	vld [tilespmem:$0x990]  }
0x48: {  	v13 =	vld [tilespmem:$0xA10]  }
0x49: {  	v12 =	vld [tilespmem:$0xA90]  }
0x4a: {  	v11 =	vld [tilespmem:$0xB10]  }
0x4b: {  	v10 =	vld [tilespmem:$0xB90]  }
0x4c: {  	v9 =	vld [tilespmem:$0xC10]  }
0x4d: {  	v8 =	vld [tilespmem:$0xC90]  }
0x4e: {  	v3 =	vld [tilespmem:$0xD90]  }
0x4f: {  	v2 =	vld [tilespmem:$0xD10]  }
0x50: {  	v4 =	vld [tilespmem:$0xA0]  }
0x51: {  	v5 =	vld [tilespmem:$0x120]  }
0x52: {  	v6 =	vld [tilespmem:$0x220]  }
0x53: {  	[tilespmem:$0x1FFB0] =	vst v3;
	v3 =	vld [tilespmem:$0xE10];
	v17 =	vadd.s32 v17, v18  }
0x54: {  	v50 =	vadd.s32 v50, v51;
	v18 =	vld [tilespmem:$0xEA0];
	v17 =	vadd.s32 v19, v17  }
0x55: {  	v19 =	vadd.s32 v52, v50;
	v17 =	vadd.s32 v20, v17;
	v20 =	vld [tilespmem:$0x1A0]  }
0x56: {  	v53 =	vadd.s32 v53, v19;
	v19 =	vld [tilespmem:$0xFA0]  }
0x57: {  	v17 =	vadd.s32 v22, v17;
	v22 =	vld [tilespmem:$0xE20]  }
0x58: {  	v17 =	vadd.s32 v23, v17;
	v23 =	vld [tilespmem:$0x2A0]  }
0x59: {  	[tilespmem:$0x1FFC0] =	vst v3;
	v3 =	vld [tilespmem:$0xE90]  }
0x5a: {  	v17 =	vadd.s32 v24, v17;
	v24 =	vld [tilespmem:$0x320]  }
0x5b: {  	v17 =	vadd.s32 v25, v17;
	v25 =	vld [tilespmem:$0x3A0]  }
0x5c: {  	v17 =	vadd.s32 v26, v17;
	v26 =	vld [tilespmem:$0x420]  }
0x5d: {  	v17 =	vadd.s32 v27, v17;
	v27 =	vld [tilespmem:$0x4A0]  }
0x5e: {  	v17 =	vadd.s32 v28, v17;
	v28 =	vld [tilespmem:$0x520]  }
0x5f: {  	[tilespmem:$0x1FFD0] =	vst v3;
	v3 =	vld [tilespmem:$0xF10]  }
0x60: {  	v17 =	vadd.s32 v29, v17;
	v29 =	vld [tilespmem:$0x5A0]  }
0x61: {  	v17 =	vadd.s32 v30, v17;
	v30 =	vld [tilespmem:$0x620]  }
0x62: {  	v17 =	vadd.s32 v31, v17;
	v31 =	vld [tilespmem:$0x6A0]  }
0x63: {  	v17 =	vadd.s32 v32, v17;
	v32 =	vld [tilespmem:$0x720]  }
0x64: {  	v17 =	vadd.s32 v33, v17;
	v33 =	vld [tilespmem:$0x7A0]  }
0x65: {  	[tilespmem:$0x1FFE0] =	vst v3;
	v3 =	vld [tilespmem:$0xF90];
	v17 =	vadd.s32 v34, v17  }
0x66: {  	v34 =	vld [tilespmem:$0x820];
	v17 =	vadd.s32 v35, v17  }
0x67: {  	v35 =	vld [tilespmem:$0x8A0];
	v17 =	vadd.s32 v36, v17  }
0x68: {  	v36 =	vld [tilespmem:$0x920];
	v17 =	vadd.s32 v37, v17  }
0x69: {  	v37 =	vld [tilespmem:$0x9A0];
	v17 =	vadd.s32 v38, v17  }
0x6a: {  	v38 =	vld [tilespmem:$0xA20];
	v17 =	vadd.s32 v39, v17  }
0x6b: {  	[tilespmem:$0x1FFF0] =	vst v3;
	v3 =	vld [tilespmem:$0x20];
	v17 =	vadd.s32 v40, v17  }
0x6c: {  	v39 =	vld [tilespmem:$0xAA0];
	v17 =	vadd.s32 v41, v17  }
0x6d: {  	v40 =	vld [tilespmem:$0xB20];
	v17 =	vadd.s32 v42, v17  }
0x6e: {  	v41 =	vld [tilespmem:$0xBA0];
	v17 =	vadd.s32 v43, v17  }
0x6f: {  	v42 =	vld [tilespmem:$0xC20];
	v17 =	vadd.s32 v44, v17  }
0x70: {  	v43 =	vld [tilespmem:$0xCA0];
	v17 =	vadd.s32 v45, v17  }
0x71: {  	v44 =	vld [tilespmem:$0xD20];
	v17 =	vadd.s32 v46, v17  }
0x72: {  	v3 =	vadd.s32 v3, v4;
	v4 =	vld [tilespmem:$0x130];
	v17 =	vadd.s32 v47, v17;
	v47 =	vadd.s32 v54, v53  }
0x73: {  	v45 =	vld [tilespmem:$0xDA0];
	v3 =	vadd.s32 v5, v3;
	v51 =	vadd.s32 v48, v17;
	v47 =	vadd.s32 v55, v47  }
0x74: {  	v5 =	vld [tilespmem:$0x1B0];
	v3 =	vadd.s32 v20, v3;
	v46 =	vadd.s32 v49, v51;
	v47 =	vadd.s32 v56, v47  }
0x75: {  	v3 =	vadd.s32 v6, v3;
	v6 =	vld [tilespmem:$0x2B0];
	vm0 =	vgt.s32 v46, $0x2;
	v56 =	vadd.s32 v57, v47  }
0x76: {  	v17 =	vld [tilespmem:$0xF20];
	vm1 =	vgt.s32 v46, $0x6;
	vm6 =	vgt.s32 v46, $0xE;
	v46 =	vadd.s32 v58, v56  }
0x77: {  	v48 =	vld [tilespmem:$0x30];
	v46 =	vadd.s32 v59, v46  }
0x78: {  	v55 =	vld [tilespmem:$0xB0];
	v46 =	vadd.s32 v60, v46  }
0x79: {  	v3 =	vadd.s32 v23, v3;
	v51 =	vld [tilespmem:$0x3B0];
	v46 =	vadd.s32 v61, v46  }
0x7a: {  	v52 =	vimm.s32 $0x1;
	v3 =	vadd.s32 v24, v3;
	v58 =	vld [tilespmem:$0x230];
	v53 =	vadd.s32 v62, v46  }
0x7b: {  	v49 =	vsel vm0, $0x2, v52;
	v54 =	vsel vm1, $0x1, v7;
	v56 =	vld [tilespmem:$0x730];
	v24 =	vadd.s32 v63, v53  }
0x7c: {  	v49 =	vadd.s32 v54, v49;
	v54 =	vld [tilespmem:$0x4B0];
	v0 =	vadd.s32 v0, v24  }
0x7d: {  	v57 =	vsel vm6, $0x1, v7;
	v59 =	vld [tilespmem:$0x1FFD0];
	v0 =	vadd.s32 v1, v0  }
0x7e: {  	v20 =	vadd.s32 v57, v49;
	v49 =	vld [tilespmem:$0x330];
	v0 =	vadd.s32 v21, v0  }
0x7f: {  	v48 =	vadd.s32 v48, v55;
	v55 =	vld [tilespmem:$0x630];
	v0 =	vadd.s32 v16, v0  }
0x80: {  	v3 =	vadd.s32 v25, v3;
	v57 =	vld [tilespmem:$0x8B0];
	v4 =	vadd.s32 v4, v48;
	v0 =	vadd.s32 v15, v0  }
0x81: {  	v3 =	vadd.s32 v26, v3;
	v4 =	vadd.s32 v5, v4;
	v5 =	vld [tilespmem:$0x430];
	v0 =	vadd.s32 v14, v0  }
0x82: {  	v3 =	vadd.s32 v27, v3;
	v60 =	vld [tilespmem:$0x1FFE0];
	v4 =	vadd.s32 v58, v4;
	v0 =	vadd.s32 v13, v0  }
0x83: {  	v4 =	vadd.s32 v6, v4;
	v6 =	vld [tilespmem:$0x530];
	v1 =	vadd.s32 v28, v3;
	v0 =	vadd.s32 v12, v0  }
0x84: {  	v3 =	vadd.s32 v49, v4;
	v4 =	vld [tilespmem:$0x5B0];
	v1 =	vadd.s32 v29, v1;
	v0 =	vadd.s32 v11, v0  }
0x85: {  	v61 =	vld [tilespmem:$0x1FFF0];
	v3 =	vadd.s32 v51, v3;
	v1 =	vadd.s32 v30, v1;
	v0 =	vadd.s32 v10, v0  }
0x86: {  	v3 =	vadd.s32 v5, v3;
	v5 =	vld [tilespmem:$0x6B0];
	v1 =	vadd.s32 v31, v1;
	v0 =	vadd.s32 v9, v0  }
0x87: {  	v3 =	vadd.s32 v54, v3;
	v1 =	vadd.s32 v32, v1;
	v0 =	vadd.s32 v8, v0;
	v8 =	vld [tilespmem:$0x1FFB0]  }
0x88: {  	v3 =	vadd.s32 v6, v3;
	v6 =	vld [tilespmem:$0x7B0];
	v1 =	vadd.s32 v33, v1  }
0x89: {  	v3 =	vadd.s32 v4, v3;
	v4 =	vld [tilespmem:$0x830];
	v1 =	vadd.s32 v34, v1  }
0x8a: {  	v58 =	vld [tilespmem:$0x9B0];
	v3 =	vadd.s32 v55, v3;
	v1 =	vadd.s32 v35, v1  }
0x8b: {  	v3 =	vadd.s32 v5, v3;
	v5 =	vld [tilespmem:$0x930];
	v1 =	vadd.s32 v36, v1;
	v0 =	vadd.s32 v2, v0  }
0x8c: {  	v3 =	vadd.s32 v56, v3;
	v1 =	vadd.s32 v37, v1;
	v0 =	vadd.s32 v8, v0;
	v8 =	vld [tilespmem:$0x1FFC0]  }
0x8d: {  	v3 =	vadd.s32 v6, v3;
	v6 =	vld [tilespmem:$0xA30];
	v1 =	vadd.s32 v38, v1  }
0x8e: {  	v3 =	vadd.s32 v4, v3;
	v4 =	vld [tilespmem:$0xAB0];
	v1 =	vadd.s32 v39, v1  }
0x8f: {  	v2 =	vadd.s32 v57, v3;
	v3 =	vld [tilespmem:$0xB30];
	v1 =	vadd.s32 v40, v1  }
0x90: {  	v2 =	vadd.s32 v5, v2;
	v5 =	vld [tilespmem:$0xBB0];
	v1 =	vadd.s32 v41, v1  }
0x91: {  	v2 =	vadd.s32 v58, v2;
	v1 =	vadd.s32 v42, v1;
	v0 =	vadd.s32 v8, v0;
	v8 =	vld [tilespmem:$0xC30]  }
0x92: {  	v2 =	vadd.s32 v6, v2;
	v6 =	vld [tilespmem:$0xCB0];
	v1 =	vadd.s32 v43, v1  }
0x93: {  	v2 =	vadd.s32 v4, v2;
	v4 =	vld [tilespmem:$0xD30];
	v1 =	vadd.s32 v44, v1;
	v0 =	vadd.s32 v59, v0  }
0x94: {  	v2 =	vadd.s32 v3, v2;
	v3 =	vld [tilespmem:$0xDB0];
	v1 =	vadd.s32 v45, v1;
	v0 =	vadd.s32 v60, v0  }
0x95: {  	v2 =	vadd.s32 v5, v2;
	v5 =	vld [tilespmem:$0xE30];
	v1 =	vadd.s32 v22, v1;
	v0 =	vadd.s32 v61, v0  }
0x96: {  	v1 =	vadd.s32 v18, v1;
	vm7 =	vgt.s32 v0, $0x2;
	v2 =	vadd.s32 v8, v2;
	v8 =	vld [tilespmem:$0xEB0]  }
0x97: {  	vm8 =	vgt.s32 v0, $0x6;
	vm9 =	vgt.s32 v0, $0xE;
	v2 =	vadd.s32 v6, v2;
	v6 =	vld [tilespmem:$0xF30]  }
0x98: {  	v0 =	vadd.s32 v17, v1;
	v62 =	vsel vm7, $0x2, v52;
	v2 =	vadd.s32 v4, v2;
	v4 =	vld [tilespmem:$0xFB0]  }
0x99: {  	v63 =	vsel vm8, $0x1, v7;
	v0 =	vadd.s32 v19, v0;
	v1 =	vadd.s32 v3, v2  }
0x9a: {  	v9 =	vadd.s32 v63, v62;
	vm10 =	vgt.s32 v0, $0x2;
	v1 =	vadd.s32 v5, v1  }
0x9b: {  	vm11 =	vgt.s32 v0, $0x6;
	vm12 =	vgt.s32 v0, $0xE;
	v1 =	vadd.s32 v8, v1  }
0x9c: {  	v2 =	vsel vm9, $0x1, v7;
	v3 =	vsel vm10, $0x2, v52;
	v1 =	vadd.s32 v6, v1  }
0x9d: {  	v2 =	vadd.s32 v2, v9;
	v1 =	vadd.s32 v4, v1;
	v4 =	vsel vm11, $0x1, v7  }
0x9e: {  	v0 =	vadd.s32 v4, v3;
	v3 =	vsel vm12, $0x1, v7;
	vm13 =	vgt.s32 v1, $0x2  }
0x9f: {  	vm14 =	vgt.s32 v1, $0x6;
	vm15 =	vgt.s32 v1, $0xE;
	v1 =	vcvt.s32.f32 v20  }
0xa0: {  	v0 =	vadd.s32 v3, v0;
	v3 =	vsel vm13, $0x2, v52;
	v4 =	vsel vm14, $0x1, v7  }
0xa1: {  	v2 =	vcvt.s32.f32 v2;
	v3 =	vadd.s32 v4, v3;
	v4 =	vsel vm15, $0x1, v7  }
0xa2: {  	[tilespmem:$0x1000] =	vst v1;
	v0 =	vcvt.s32.f32 v0;
	v1 =	vadd.s32 v4, v3  }
0xa3: {  	[tilespmem:$0x1010] =	vst v2;
	v1 =	vcvt.s32.f32 v1  }
0xa4: {  	[tilespmem:$0x1020] =	vst v0  }
0xa5: {  	s12 =	simm.s32 $0x0;
	[tilespmem:$0x1030] =	vst v1  }
0xa6: {  	v0 =	vld [tilespmem:s12+$0x1080];
	_ =	sdelay $0x7  }
0xa7: {  	s13 =	simm.s32 $0x10;
	s14 =	simm.s32 $0x80;
	v2 =	vld.idx.msk [tilespmem:v0+s9+$0x0], $0xffff  }
.LBB2_2:
0xa8: {  	p0 =	sne.s32 s14, $0x7FC0;
	v0 =	vld [tilespmem:s13+$0x1080];
	_ =	sdelay $0x3  }
.Ltmp0:
0xa9: {  	(pc) =	sbr.rel @p0 .LBB2_2-.Ltmp0, $2  }
0xaa: {  	[tilespmem:s12+$0x3080] =	vst v2;
	s12 =	smov.u32 s13;
	_ =	sdelay $0x2  }
0xab: {  	s13 =	sshra.s32 s14, $0x2;
	s14 =	sadd.s32 $0x40, s14;
	v2 =	vld.idx.msk [tilespmem:v0+s9+$0x0], $0xffff  }
0xac: {  	v0 =	vld [tilespmem:s13+$0x1080];
	_ =	sdelay $0x6  }
0xad: {  	[tilespmem:s12+$0x3080] =	vst v2  }
0xae: {  	v0 =	vld.idx.msk [tilespmem:v0+s9+$0x0], $0xffff;
	_ =	sdelay $0x2  }
0xaf: {  	s11 =	sadd.s32 $0x1, s11  }
0xb0: {  	p0 =	sne.s32 s11, s6  }
.Ltmp1:
0xb1: {  	[tilespmem:s13+$0x3080] =	vst v0;
	(pc) =	sbr.rel @p0 .LBB2_1-.Ltmp1, $4  }
0xb2: {  	[hbm4b:s5+s2] =	stream.linear.scatter [tilespmem:s10], [sflag:$0x1], $0x2000, $0x38;
	[tilespmem:$0x5080] =	vst v63  }
0xb3: {  	_ =	swait.ge [sflag:s7], $0x2000  }
0xb4: {  	[sflag:s7] =	ssyncset.done $0x0  }
0xb5: {  	[sflag:s7] =	ssyncadd.s32 $0xFFFFE000  }
0xb6: {  	_ =	sfence.sel $0x180000  }
0xb7: {  	[bflag:$0x0] =	sbarrier.arrive $0xFFFF  }
0xb8: {  	p0 =	sne.s32 s1, $0x0;
	_ =	strace $0x9000004A  }
0xb9: {  	s0 =	sadd.s32 @!p0 $0x100000, s0;
	[bflag:$0x2] =	sbarrier.arrive $0xFFFF  }
0xba: {  	[sflag:s0] =	ssyncadd.tile.s32 @!p0 $0x1;
	_ =	shalt  }
.Lfunc_end2:
_tile_overlayer_lowered:
.L_overlay_start_2:
0xbb: {  	(tag) =	ssettag $0x2  }
0xbc: {  	s0 =	rddreg [dreg:$0x0];
	s2 =	stileid.u32  }
0xbd: {  	s1 =	rddreg [dreg:$0x1];
	p0 =	sne.s32 s2, $0x0  }
0xbe: {  	s3 =	rddreg [dreg:$0x2];
	[bflag:$0x3] =	sbarrier.arrive $0xFFFF;
	s2 =	simm.s32 @!p0 $0x1C01  }
0xbf: {  	[timem:s3], [sflag:s2] =	dma.local @!p0 [hbm:s0], s1  }
0xc0: {  	s0 =	simm.s32 @!p0 $0x1  }
0xc1: {  	_ =	swait.ge @!p0 [sflag:s0], s1  }
0xc2: {  	s1 =	ssub.s32 @!p0 $0x0, s1;
	[sflag:s0] =	ssyncset.done @!p0 $0x0  }
0xc3: {  	[sflag:s0] =	ssyncadd.s32 @!p0 s1  }
0xc4: {  	[bflag:$0x3] =	sbarrier.arrive $0xFFFF  }
0xc5: {  	_ =	shalt  }

</sc_bundles>
